<compile_context>
chip_gen: v7x
topology: tpu7x:2x2x1
jax: 0.10.2.dev20260603
libtpu: 0.0.44.dev20260713+nightly
codegen_flags: <defaults>
</compile_context>

<pallas_src>
import functools

import jax
import jax.numpy as jnp
from jax import lax
from jax.experimental import pallas as pl
from jax.experimental.pallas import tpu as pltpu
from jax.experimental.pallas import tpu_sc as plsc

_N = 10000
_E = 320000
_H = 128
_HH = 64
_G = 32
_R = 1000
_NBLK = _N // _R

_NC = 2
_NS = 16
_CHUNK = 128
_EPT = _E // _NS
_NCHP = 158
_NCHT = _NCHP + 1
_NP = 10240
_ZROWS = _NP // _NS
_ZB = 128


def _lrelu(t):
    return jnp.where(t >= 0, t, 0.01 * t)



def _fc1_body(x_ref, w_ref, b_ref, out_ref):
    h = _lrelu(jnp.dot(x_ref[...], w_ref[...],
                       preferred_element_type=jnp.float32) + b_ref[...])
    out_ref[0] = h[:, :_HH]
    out_ref[1] = h[:, _HH:]


def _conv_fc_body(agg_ref, h_ref, wrel_ref, brel_ref, wroot_ref,
                  w2_ref, b2_ref, out_ref):
    agg = jnp.concatenate([agg_ref[0], agg_ref[1]], axis=1)
    h = jnp.concatenate([h_ref[0], h_ref[1]], axis=1)
    t = (jnp.dot(agg, wrel_ref[...], preferred_element_type=jnp.float32)
         + jnp.dot(h, wroot_ref[...], preferred_element_type=jnp.float32)
         + brel_ref[...])
    h2 = _lrelu(t)
    h3 = _lrelu(jnp.dot(h2, w2_ref[...],
                        preferred_element_type=jnp.float32) + b2_ref[...])
    out_ref[0] = h3[:, :_HH]
    out_ref[1] = h3[:, _HH:]


def _conv_pool_head_body(agg_ref, h_ref, wrel_ref, brel_ref, wroot_ref,
                         batch_ref, w3_ref, b3_ref, w4_ref, b4_ref,
                         w5_ref, b5_ref, out_ref, sums_ref, counts_ref):
    i = pl.program_id(0)

    @pl.when(i == 0)
    def _init():
        sums_ref[...] = jnp.zeros((_G, _H), jnp.float32)
        counts_ref[...] = jnp.zeros((_G, _H), jnp.float32)

    agg = jnp.concatenate([agg_ref[0], agg_ref[1]], axis=1)
    h = jnp.concatenate([h_ref[0], h_ref[1]], axis=1)
    t = (jnp.dot(agg, wrel_ref[...], preferred_element_type=jnp.float32)
         + jnp.dot(h, wroot_ref[...], preferred_element_type=jnp.float32)
         + brel_ref[...])
    h4 = _lrelu(t)

    b = batch_ref[...]
    oh = (b == lax.broadcasted_iota(jnp.int32, (_R, _G), 1)
          ).astype(jnp.float32)
    sums_ref[...] += lax.dot_general(oh, h4, (((0,), (0,)), ((), ())),
                                     preferred_element_type=jnp.float32)
    cnt = jnp.sum(oh, axis=0)
    counts_ref[...] += jnp.broadcast_to(cnt[:, None], (_G, _H))

    @pl.when(i == _NBLK - 1)
    def _head():
        mean = sums_ref[...] / jnp.maximum(counts_ref[...], 1.0)
        h5 = _lrelu(jnp.dot(mean, w3_ref[...],
                            preferred_element_type=jnp.float32) + b3_ref[...])
        h6 = _lrelu(jnp.dot(h5, w4_ref[...],
                            preferred_element_type=jnp.float32) + b4_ref[...])
        out_ref[...] = jnp.dot(h6, w5_ref[...],
                               preferred_element_type=jnp.float32) + b5_ref[...]


def _full(shape):
    return pl.BlockSpec(shape, lambda i: (0,) * len(shape))


def _fc1(x, w, b):
    return pl.pallas_call(
        _fc1_body,
        grid=(_NBLK,),
        in_specs=[pl.BlockSpec((_R, _H), lambda i: (i, 0)),
                  _full((_H, _H)), _full((1, _H))],
        out_specs=pl.BlockSpec((2, _R, _HH), lambda i: (0, i, 0)),
        out_shape=jax.ShapeDtypeStruct((2, _NP, _HH), jnp.float32),
    )(x, w, b)


def _conv_fc(agg, h, wrel, brel, wroot, w2, b2):
    half = pl.BlockSpec((2, _R, _HH), lambda i: (0, i, 0))
    return pl.pallas_call(
        _conv_fc_body,
        grid=(_NBLK,),
        in_specs=[half, half, _full((_H, _H)), _full((1, _H)),
                  _full((_H, _H)), _full((_H, _H)), _full((1, _H))],
        out_specs=pl.BlockSpec((2, _R, _HH), lambda i: (0, i, 0)),
        out_shape=jax.ShapeDtypeStruct((2, _NP, _HH), jnp.float32),
    )(agg, h, wrel, brel, wroot, w2, b2)


def _conv_pool_head(agg, h, wrel, brel, wroot, batch2, w3, b3, w4, b4, w5, b5):
    half = pl.BlockSpec((2, _R, _HH), lambda i: (0, i, 0))
    return pl.pallas_call(
        _conv_pool_head_body,
        grid=(_NBLK,),
        in_specs=[half, half, _full((_H, _H)), _full((1, _H)),
                  _full((_H, _H)),
                  pl.BlockSpec((_R, 1), lambda i: (i, 0)),
                  _full((_H, _H)), _full((1, _H)),
                  _full((_H, _HH)), _full((1, _HH)),
                  _full((_HH, 10)), _full((1, 10))],
        out_specs=_full((_G, 10)),
        out_shape=jax.ShapeDtypeStruct((_G, 10), jnp.float32),
        scratch_shapes=[pltpu.VMEM((_G, _H), jnp.float32),
                        pltpu.VMEM((_G, _H), jnp.float32)],
    )(agg, h, wrel, brel, wroot, batch2, w3, b3, w4, b4, w5, b5)



@functools.lru_cache(maxsize=1)
def _make_seg_sum():
    mesh = plsc.VectorSubcoreMesh(core_axis_name="c", subcore_axis_name="s",
                                  num_cores=_NC, num_subcores=_NS)

    @functools.partial(
        pl.kernel,
        out_type=jax.ShapeDtypeStruct((2 * _NP, _HH), jnp.float32),
        mesh=mesh,
        scratch_types=[
            pltpu.VMEM((_NCHT, _CHUNK), jnp.int32),
            pltpu.VMEM((_CHUNK,), jnp.int32),
            pltpu.VMEM((_CHUNK,), jnp.int32),
            pltpu.VMEM((_CHUNK,), jnp.int32),
            pltpu.VMEM((_CHUNK,), jnp.int32),
            pltpu.VMEM((_CHUNK, _HH), jnp.float32),
            pltpu.VMEM((_CHUNK, _HH), jnp.float32),
            pltpu.VMEM_SHARED((_NP, _HH), jnp.float32),
            pltpu.VMEM_SHARED((_NP, _HH), jnp.float32),
            pltpu.SemaphoreType.DMA,
            pltpu.SemaphoreType.DMA,
        ],
        compiler_params=pltpu.CompilerParams(use_tc_tiling_on_sc=False),
    )
    def seg_sum(tab_ref, pk_ref, out_ref, pk, srcv0, srcv1, dstv0, dstv1,
                rows0, rows1, acc, tabsp, sem0, sem1):
        c = lax.axis_index("c")
        s = lax.axis_index("s")

        pltpu.sync_copy(pk_ref.at[s], pk)

        pltpu.sync_copy(tab_ref.at[pl.ds(c * _NP + s * _ZROWS, _ZROWS)],
                        tabsp.at[pl.ds(s * _ZROWS, _ZROWS)])

        def _z(k, _):
            r = k // (_HH // 16)
            col = (k % (_HH // 16)) * 16
            rows0[r, pl.ds(col, 16)] = jnp.zeros((16,), jnp.float32)
            return 0
        lax.fori_loop(0, _ZB * (_HH // 16), _z, 0)

        def _zcopy(z, _):
            pltpu.sync_copy(rows0, acc.at[pl.ds(s * _ZROWS + z * _ZB, _ZB)])
            return 0
        lax.fori_loop(0, _ZROWS // _ZB, _zcopy, 0)

        def _unpk(j, sv, dv, base):
            def _u(k, _):
                v = pk[j, pl.ds(k * 16, 16)]
                sv[pl.ds(k * 16, 16)] = jnp.bitwise_and(v, 16383) + base
                dv[pl.ds(k * 16, 16)] = jnp.right_shift(v, 14)
                return 0
            lax.fori_loop(0, _CHUNK // 16, _u, 0)

        plsc.subcore_barrier()

        _unpk(0, srcv0, dstv0, 0)
        pltpu.async_copy(tabsp.at[srcv0], rows0, sem0)

        def _pair(t, _):
            j0 = t * 2
            _unpk(j0 + 1, srcv1, dstv1, 0)
            pltpu.async_copy(tabsp.at[srcv1], rows1, sem1)
            pltpu.make_async_copy(tabsp.at[srcv0], rows0, sem0).wait()
            pltpu.sync_copy(rows0, acc.at[dstv0], add=True)
            _unpk(j0 + 2, srcv0, dstv0, 0)
            pltpu.async_copy(tabsp.at[srcv0], rows0, sem0)
            pltpu.make_async_copy(tabsp.at[srcv1], rows1, sem1).wait()
            pltpu.sync_copy(rows1, acc.at[dstv1], add=True)
            return 0

        lax.fori_loop(0, _NCHP // 2, _pair, 0)
        pltpu.make_async_copy(tabsp.at[srcv0], rows0, sem0).wait()

        plsc.subcore_barrier()

        def _out(z, _):
            off = s * _ZROWS + z * _ZB
            pltpu.sync_copy(acc.at[pl.ds(off, _ZB)],
                            out_ref.at[pl.ds(c * _NP + off, _ZB)])
            return 0
        lax.fori_loop(0, _ZROWS // _ZB, _out, 0)

    return seg_sum


def _seg_sum(tab, pkidx):
    return _make_seg_sum()(tab, pkidx)



def kernel(x, edge_index, batch, fc1_W, fc1_b, conv1_rel_W, conv1_rel_b,
           conv1_root_W, fc2_W, fc2_b, conv2_rel_W, conv2_rel_b,
           conv2_root_W, fc3_W, fc3_b, fc4_W, fc4_b, fc5_W, fc5_b):
    pad = _NCHT * _CHUNK - _EPT
    src2 = edge_index[0].reshape(_NS, _EPT)
    dst2 = edge_index[1].reshape(_NS, _EPT)
    pk2 = dst2 * 16384 + src2
    pkidx = jnp.concatenate(
        [pk2, jnp.full((_NS, pad), _N * 16384, jnp.int32)],
        axis=1).reshape(_NS, _NCHT, _CHUNK)
    batch2 = batch.reshape(_N, 1)

    b1 = fc1_b.reshape(1, _H)
    brel1 = conv1_rel_b.reshape(1, _H)
    b2 = fc2_b.reshape(1, _H)
    brel2 = conv2_rel_b.reshape(1, _H)
    b3 = fc3_b.reshape(1, _H)
    b4 = fc4_b.reshape(1, _HH)
    b5 = fc5_b.reshape(1, 10)

    h1 = _fc1(x, fc1_W, b1)
    agg1 = _seg_sum(h1.reshape(2 * _NP, _HH), pkidx).reshape(2, _NP, _HH)
    h3 = _conv_fc(agg1, h1, conv1_rel_W, brel1, conv1_root_W, fc2_W, b2)
    agg2 = _seg_sum(h3.reshape(2 * _NP, _HH), pkidx).reshape(2, _NP, _HH)
    out = _conv_pool_head(agg2, h3, conv2_rel_W, brel2, conv2_root_W,
                          batch2, fc3_W, b3, fc4_W, b4, fc5_W, b5)
    return out

# --- scband reference (transcript-rebuilt; emitter-appended) ---
"""Pipeline reference for scband-gcnv3-23862838296799 (READ-ONLY COPY).

The authoritative reference and input builder live on the scoring server;
editing this copy changes nothing except your own understanding.
"""

import jax, jax.numpy as jnp
import numpy as np

N = 10000
E = 320000
F_IN = 128
H = 128
C = 10
NUM_GRAPHS = 32


def setup_inputs(seed: int = 0) -> dict:
    key = jax.random.key(seed)
    ks = jax.random.split(key, 20)
    s = 0.05
    inp = {}
    inp['x'] = jax.random.normal(ks[0], (N, F_IN), dtype=jnp.float32)
    inp['edge_index'] = jax.random.randint(ks[1], (2, E), 0, N, dtype=jnp.int32)
    inp['batch'] = jnp.sort(jax.random.randint(ks[2], (N,), 0, NUM_GRAPHS, dtype=jnp.int32))
    inp['fc1_W'] = s * jax.random.normal(ks[3], (F_IN, H), dtype=jnp.float32)
    inp['fc1_b'] = jnp.zeros((H,), dtype=jnp.float32)
    inp['conv1_rel_W'] = s * jax.random.normal(ks[4], (H, H), dtype=jnp.float32)
    inp['conv1_rel_b'] = jnp.zeros((H,), dtype=jnp.float32)
    inp['conv1_root_W'] = s * jax.random.normal(ks[5], (H, H), dtype=jnp.float32)
    inp['fc2_W'] = s * jax.random.normal(ks[6], (H, H), dtype=jnp.float32)
    inp['fc2_b'] = jnp.zeros((H,), dtype=jnp.float32)
    inp['conv2_rel_W'] = s * jax.random.normal(ks[7], (H, H), dtype=jnp.float32)
    inp['conv2_rel_b'] = jnp.zeros((H,), dtype=jnp.float32)
    inp['conv2_root_W'] = s * jax.random.normal(ks[8], (H, H), dtype=jnp.float32)
    inp['fc3_W'] = s * jax.random.normal(ks[9], (H, H), dtype=jnp.float32)
    inp['fc3_b'] = jnp.zeros((H,), dtype=jnp.float32)
    inp['fc4_W'] = s * jax.random.normal(ks[10], (H, H // 2), dtype=jnp.float32)
    inp['fc4_b'] = jnp.zeros((H // 2,), dtype=jnp.float32)
    inp['fc5_W'] = s * jax.random.normal(ks[11], (H // 2, C), dtype=jnp.float32)
    inp['fc5_b'] = jnp.zeros((C,), dtype=jnp.float32)
    return inp


def _graph_conv(h, edge_index, W_rel, b_rel, W_root):
    # PyG GraphConv: out = lin_rel(sum_{j in N(i)} x_j) + lin_root(x_i)
    src = edge_index[0]
    dst = edge_index[1]
    msgs = jnp.take(h, src, axis=0)
    agg = jax.ops.segment_sum(msgs, dst, num_segments=h.shape[0])
    return agg @ W_rel + b_rel + h @ W_root


def _global_mean_pool(h, batch, num_graphs):
    sums = jax.ops.segment_sum(h, batch, num_segments=num_graphs)
    counts = jax.ops.segment_sum(jnp.ones((h.shape[0], 1), dtype=h.dtype), batch, num_segments=num_graphs)
    return sums / jnp.maximum(counts, 1.0)


def reference(x, edge_index, batch, fc1_W, fc1_b, conv1_rel_W, conv1_rel_b, conv1_root_W, fc2_W, fc2_b, conv2_rel_W, conv2_rel_b, conv2_root_W, fc3_W, fc3_b, fc4_W, fc4_b, fc5_W, fc5_b):
    lrelu = lambda t: jax.nn.leaky_relu(t, negative_slope=0.01)
    h = lrelu(x @ fc1_W + fc1_b)
    h = lrelu(_graph_conv(h, edge_index, conv1_rel_W, conv1_rel_b, conv1_root_W))
    h = lrelu(h @ fc2_W + fc2_b)
    h = lrelu(_graph_conv(h, edge_index, conv2_rel_W, conv2_rel_b, conv2_root_W))
    h = _global_mean_pool(h, batch, NUM_GRAPHS)
    h = lrelu(h @ fc3_W + fc3_b)
    h = lrelu(h @ fc4_W + fc4_b)
    out = h @ fc5_W + fc5_b
    return out

if __name__ == "__main__":
    import jax
    _d = setup_inputs()
    print(jax.jit(kernel)(*tuple(_d.values())))

</pallas_src>

<mosaic_0001>
#map = affine_map<(d0, d1) -> (0, 0)>
#map1 = affine_map<(d0, d1) -> (0, 0, 0)>
module attributes {stable_mosaic.version = 14 : i64} {
  func.func @seg_sum(%arg0: i32, %arg1: i32, %arg2: memref<20480x64xf32, #tpu.memory_space<hbm>>, %arg3: memref<16x159x128xi32, #tpu.memory_space<hbm>>, %arg4: memref<20480x64xf32, #tpu.memory_space<hbm>>, %arg5: memref<159x128xi32, #tpu.memory_space<vmem>>, %arg6: memref<128xi32, #tpu.memory_space<vmem>>, %arg7: memref<128xi32, #tpu.memory_space<vmem>>, %arg8: memref<128xi32, #tpu.memory_space<vmem>>, %arg9: memref<128xi32, #tpu.memory_space<vmem>>, %arg10: memref<128x64xf32, #tpu.memory_space<vmem>>, %arg11: memref<128x64xf32, #tpu.memory_space<vmem>>, %arg12: memref<10240x64xf32, #tpu.memory_space<vmem_shared>>, %arg13: memref<10240x64xf32, #tpu.memory_space<vmem_shared>>, %arg14: memref<!tpu.dma_semaphore, #tpu.memory_space<semaphore_mem>>, %arg15: memref<!tpu.dma_semaphore, #tpu.memory_space<semaphore_mem>>) attributes {dimension_semantics = [#tpu.dimension_semantics<core_parallel>, #tpu.dimension_semantics<subcore_parallel>], iteration_bounds = array<i64: 2, 16>, scalar_prefetch = 0 : i64, scratch_operands = 11 : i64, tpu.core_type = #tpu.core_type<sc_vector_subcore>, window_params = [{transform_indices = #map}, {transform_indices = #map1}, {transform_indices = #map}]} {
    "tpu.region"() ({
      %run_scoped3A = tpu.sem_alloc : memref<!tpu.dma_semaphore, #tpu.memory_space<semaphore_mem>>
      %dma_start3A_44 = arith.constant 0 : i32
      %dma_start3A_45 = arith.constant 0 : i32
      %dma_start3A_46 = tpu.memref_slice %arg3[%arg1, %dma_start3A_44, %dma_start3A_45] : memref<16x159x128xi32, #tpu.memory_space<hbm>> -> memref<1x159x128xi32, #tpu.memory_space<hbm>>
      %dma_start3A_47 = tpu.memref_squeeze %dma_start3A_46 : memref<1x159x128xi32, #tpu.memory_space<hbm>> -> memref<159x128xi32, #tpu.memory_space<hbm>>
      %dma_start3A_48 = arith.constant 0 : i32
      %dma_start3A_49 = arith.constant 0 : i32
      %dma_start3A_50 = tpu.memref_slice %arg3[%arg1, %dma_start3A_48, %dma_start3A_49] : memref<16x159x128xi32, #tpu.memory_space<hbm>> -> memref<1x159x128xi32, #tpu.memory_space<hbm>>
      %dma_start3A_51 = tpu.memref_squeeze %dma_start3A_50 : memref<1x159x128xi32, #tpu.memory_space<hbm>> -> memref<159x128xi32, #tpu.memory_space<hbm>>
      tpu.enqueue_dma source(%dma_start3A_51 : memref<159x128xi32, #tpu.memory_space<hbm>>) target(%arg5 : memref<159x128xi32, #tpu.memory_space<vmem>>) target_semaphore(%run_scoped3A : memref<!tpu.dma_semaphore, #tpu.memory_space<semaphore_mem>>)
      %dma_wait3A_52 = arith.constant 0 : i32
      %dma_wait3A_53 = arith.constant 0 : i32
      %dma_wait3A_54 = tpu.memref_slice %arg3[%arg1, %dma_wait3A_52, %dma_wait3A_53] : memref<16x159x128xi32, #tpu.memory_space<hbm>> -> memref<1x159x128xi32, #tpu.memory_space<hbm>>
      %dma_wait3A_55 = tpu.memref_squeeze %dma_wait3A_54 : memref<1x159x128xi32, #tpu.memory_space<hbm>> -> memref<159x128xi32, #tpu.memory_space<hbm>>
      %dma_wait3A_56 = arith.constant 0 : i32
      %dma_wait3A_57 = arith.constant 0 : i32
      %dma_wait3A_58 = tpu.memref_slice %arg3[%arg1, %dma_wait3A_56, %dma_wait3A_57] : memref<16x159x128xi32, #tpu.memory_space<hbm>> -> memref<1x159x128xi32, #tpu.memory_space<hbm>>
      %dma_wait3A_59 = tpu.memref_squeeze %dma_wait3A_58 : memref<1x159x128xi32, #tpu.memory_space<hbm>> -> memref<159x128xi32, #tpu.memory_space<hbm>>
      tpu.wait_dma2 semaphore(%run_scoped3A : memref<!tpu.dma_semaphore, #tpu.memory_space<semaphore_mem>>) src(%dma_wait3A_59 : memref<159x128xi32, #tpu.memory_space<hbm>>) dst(%arg5 : memref<159x128xi32, #tpu.memory_space<vmem>>)
      tpu.yield
    }) : () -> ()
    %mul3A = arith.constant 10240 : i32
    %mul3A_0 = arith.muli %arg0, %mul3A : i32
    %mul3A_1 = arith.constant 640 : i32
    %mul3A_2 = arith.muli %arg1, %mul3A_1 : i32
    %add3A = arith.addi %mul3A_0, %mul3A_2 : i32
    %mul3A_3 = arith.constant 640 : i32
    %mul3A_4 = arith.muli %arg1, %mul3A_3 : i32
    "tpu.region"() ({
      %run_scoped3A = tpu.sem_alloc : memref<!tpu.dma_semaphore, #tpu.memory_space<semaphore_mem>>
      %dma_start3A_44 = arith.constant 0 : i32
      %dma_start3A_45 = tpu.memref_slice %arg13[%mul3A_4, %dma_start3A_44] : memref<10240x64xf32, #tpu.memory_space<vmem_shared>> -> memref<640x64xf32, #tpu.memory_space<vmem_shared>>
      %dma_start3A_46 = arith.constant 0 : i32
      %dma_start3A_47 = tpu.memref_slice %arg2[%add3A, %dma_start3A_46] : memref<20480x64xf32, #tpu.memory_space<hbm>> -> memref<640x64xf32, #tpu.memory_space<hbm>>
      tpu.enqueue_dma source(%dma_start3A_47 : memref<640x64xf32, #tpu.memory_space<hbm>>) target(%dma_start3A_45 : memref<640x64xf32, #tpu.memory_space<vmem_shared>>) target_semaphore(%run_scoped3A : memref<!tpu.dma_semaphore, #tpu.memory_space<semaphore_mem>>)
      %dma_wait3A_48 = arith.constant 0 : i32
      %dma_wait3A_49 = tpu.memref_slice %arg13[%mul3A_4, %dma_wait3A_48] : memref<10240x64xf32, #tpu.memory_space<vmem_shared>> -> memref<640x64xf32, #tpu.memory_space<vmem_shared>>
      %dma_wait3A_50 = arith.constant 0 : i32
      %dma_wait3A_51 = tpu.memref_slice %arg2[%add3A, %dma_wait3A_50] : memref<20480x64xf32, #tpu.memory_space<hbm>> -> memref<640x64xf32, #tpu.memory_space<hbm>>
      tpu.wait_dma2 semaphore(%run_scoped3A : memref<!tpu.dma_semaphore, #tpu.memory_space<semaphore_mem>>) src(%dma_wait3A_51 : memref<640x64xf32, #tpu.memory_space<hbm>>) dst(%dma_wait3A_49 : memref<640x64xf32, #tpu.memory_space<vmem_shared>>)
      tpu.yield
    }) : () -> ()
    %scan3A = arith.constant 0 : i32
    %scan3A_5 = arith.constant 0 : i32
    %scan3A_6 = arith.constant 512 : i32
    %scan3A_7 = arith.addi %scan3A_5, %scan3A_6 : i32
    %scan3A_8 = arith.constant 1 : i32
    %scan3A_9 = scf.for %scan3A_44 = %scan3A_5 to %scan3A_7 step %scan3A_8 iter_args(%scan3A_45 = %scan3A) -> (i32)  : i32 {
      %jit3A = arith.constant 4 : i32
      %div3A = arith.divsi %scan3A_44, %jit3A : i32
      %sign3A = arith.constant 0 : i32
      %sign3A_46 = arith.cmpi sgt, %scan3A_44, %sign3A : i32
      %sign3A_47 = arith.extui %sign3A_46 : i1 to i32
      %sign3A_48 = arith.constant 0 : i32
      %sign3A_49 = arith.cmpi slt, %scan3A_44, %sign3A_48 : i32
      %sign3A_50 = arith.extui %sign3A_49 : i1 to i32
      %sign3A_51 = arith.subi %sign3A_47, %sign3A_50 : i32
      %sign3A_52 = arith.constant 0 : i32
      %sign3A_53 = arith.cmpi sgt, %jit3A, %sign3A_52 : i32
      %sign3A_54 = arith.extui %sign3A_53 : i1 to i32
      %sign3A_55 = arith.constant 0 : i32
      %sign3A_56 = arith.cmpi slt, %jit3A, %sign3A_55 : i32
      %sign3A_57 = arith.extui %sign3A_56 : i1 to i32
      %sign3A_58 = arith.subi %sign3A_54, %sign3A_57 : i32
      %ne3A = arith.cmpi ne, %sign3A_51, %sign3A_58 : i32
      %rem3A = arith.remsi %scan3A_44, %jit3A : i32
      %ne3A_59 = arith.constant 0 : i32
      %ne3A_60 = arith.cmpi ne, %rem3A, %ne3A_59 : i32
      %and3A = arith.andi %ne3A, %ne3A_60 : i1
      %sub3A = arith.constant 1 : i32
      %sub3A_61 = arith.subi %div3A, %sub3A : i32
      %select_n3A = arith.select %and3A, %sub3A_61, %div3A : i32
      %jit3A_62 = arith.constant 4 : i32
      %eq3A = arith.constant 0 : i32
      %eq3A_63 = arith.cmpi eq, %jit3A_62, %eq3A : i32
      %jit3A_64 = arith.constant 1 : i32
      %select_n3A_65 = arith.select %eq3A_63, %jit3A_64, %jit3A_62 : i32
      %rem3A_66 = arith.remsi %scan3A_44, %select_n3A_65 : i32
      %ne3A_67 = arith.constant 0 : i32
      %ne3A_68 = arith.cmpi ne, %rem3A_66, %ne3A_67 : i32
      %lt3A = arith.constant 0 : i32
      %lt3A_69 = arith.cmpi slt, %rem3A_66, %lt3A : i32
      %lt3A_70 = arith.constant 0 : i32
      %lt3A_71 = arith.cmpi slt, %select_n3A_65, %lt3A_70 : i32
      %ne3A_72 = arith.xori %lt3A_69, %lt3A_71 : i1
      %and3A_73 = arith.andi %ne3A_72, %ne3A_68 : i1
      %add3A_74 = arith.addi %rem3A_66, %select_n3A_65 : i32
      %select_n3A_75 = arith.select %and3A_73, %add3A_74, %rem3A_66 : i32
      %mul3A_76 = arith.constant 16 : i32
      %mul3A_77 = arith.muli %select_n3A_75, %mul3A_76 : i32
      %broadcast_in_dim3A = arith.constant 0.000000e+00 : f32
      %broadcast_in_dim3A_78 = vector.broadcast %broadcast_in_dim3A : f32 to vector<16xf32>
      %swap3A = arith.index_cast %select_n3A : i32 to index
      %swap3A_79 = arith.index_cast %mul3A_77 : i32 to index
      %swap3A_80 = tpu.vector_load %arg10[%swap3A, %swap3A_79] {strides = array<i32>} : memref<128x64xf32, #tpu.memory_space<vmem>>, vector<1x16xf32>,
      %swap3A_81 = vector.shape_cast %swap3A_80 : vector<1x16xf32> to vector<16xf32>
      %swap3A_82 = vector.shape_cast %broadcast_in_dim3A_78 : vector<16xf32> to vector<1x16xf32>
      tpu.vector_store %arg10[%swap3A, %swap3A_79], %swap3A_82 {strides = array<i32>} : memref<128x64xf32, #tpu.memory_space<vmem>>, vector<1x16xf32>,
      %scan3A_83 = arith.constant 0 : i32
      scf.yield %scan3A_83 : i32
    }
    %scan3A_10 = arith.constant 512 : i32
    %scan3A_11 = arith.constant 0 : i32
    %scan3A_12 = arith.constant 0 : i32
    %scan3A_13 = arith.constant 5 : i32
    %scan3A_14 = arith.addi %scan3A_12, %scan3A_13 : i32
    %scan3A_15 = arith.constant 1 : i32
    %scan3A_16 = scf.for %scan3A_44 = %scan3A_12 to %scan3A_14 step %scan3A_15 iter_args(%scan3A_45 = %scan3A_11) -> (i32)  : i32 {
      %mul3A_46 = arith.constant 640 : i32
      %mul3A_47 = arith.muli %arg1, %mul3A_46 : i32
      %mul3A_48 = arith.constant 128 : i32
      %mul3A_49 = arith.muli %scan3A_44, %mul3A_48 : i32
      %add3A_50 = arith.addi %mul3A_47, %mul3A_49 : i32
      "tpu.region"() ({
        %run_scoped3A = tpu.sem_alloc : memref<!tpu.dma_semaphore, #tpu.memory_space<semaphore_mem>>
        %dma_start3A_52 = arith.constant 0 : i32
        %dma_start3A_53 = tpu.memref_slice %arg12[%add3A_50, %dma_start3A_52] : memref<10240x64xf32, #tpu.memory_space<vmem_shared>> -> memref<128x64xf32, #tpu.memory_space<vmem_shared>>
        %dma_start3A_54 = arith.constant 0 : i32
        %dma_start3A_55 = tpu.memref_slice %arg12[%add3A_50, %dma_start3A_54] : memref<10240x64xf32, #tpu.memory_space<vmem_shared>> -> memref<128x64xf32, #tpu.memory_space<vmem_shared>>
        tpu.enqueue_dma source(%arg10 : memref<128x64xf32, #tpu.memory_space<vmem>>) target(%dma_start3A_55 : memref<128x64xf32, #tpu.memory_space<vmem_shared>>) target_semaphore(%run_scoped3A : memref<!tpu.dma_semaphore, #tpu.memory_space<semaphore_mem>>)
        %dma_wait3A_56 = arith.constant 0 : i32
        %dma_wait3A_57 = tpu.memref_slice %arg12[%add3A_50, %dma_wait3A_56] : memref<10240x64xf32, #tpu.memory_space<vmem_shared>> -> memref<128x64xf32, #tpu.memory_space<vmem_shared>>
        %dma_wait3A_58 = arith.constant 0 : i32
        %dma_wait3A_59 = tpu.memref_slice %arg12[%add3A_50, %dma_wait3A_58] : memref<10240x64xf32, #tpu.memory_space<vmem_shared>> -> memref<128x64xf32, #tpu.memory_space<vmem_shared>>
        tpu.wait_dma2 semaphore(%run_scoped3A : memref<!tpu.dma_semaphore, #tpu.memory_space<semaphore_mem>>) src(%arg10 : memref<128x64xf32, #tpu.memory_space<vmem>>) dst(%dma_wait3A_59 : memref<128x64xf32, #tpu.memory_space<vmem_shared>>)
        tpu.yield
      }) : () -> ()
      %scan3A_51 = arith.constant 0 : i32
      scf.yield %scan3A_51 : i32
    }
    %scan3A_17 = arith.constant 5 : i32
    %barrier3A = arith.constant 0 : index
    tpu.barrier barrier_id(%barrier3A)
    %scan3A_18 = arith.constant 0 : i32
    %scan3A_19 = arith.constant 0 : i32
    %scan3A_20 = arith.constant 8 : i32
    %scan3A_21 = arith.addi %scan3A_19, %scan3A_20 : i32
    %scan3A_22 = arith.constant 1 : i32
    %scan3A_23 = scf.for %scan3A_44 = %scan3A_19 to %scan3A_21 step %scan3A_22 iter_args(%scan3A_45 = %scan3A_18) -> (i32)  : i32 {
      %mul3A_46 = arith.constant 16 : i32
      %mul3A_47 = arith.muli %scan3A_44, %mul3A_46 : i32
      %get3A = arith.constant 0 : i32
      %get3A_48 = arith.index_cast %get3A : i32 to index
      %get3A_49 = arith.index_cast %mul3A_47 : i32 to index
      %get3A_50 = tpu.vector_load %arg5[%get3A_48, %get3A_49] {strides = array<i32>} : memref<159x128xi32, #tpu.memory_space<vmem>>, vector<1x16xi32>,
      %get3A_51 = vector.shape_cast %get3A_50 : vector<1x16xi32> to vector<16xi32>
      %and3A = arith.constant 16383 : i32
      %and3A_52 = vector.broadcast %and3A : i32 to vector<16xi32>
      %and3A_53 = arith.andi %get3A_51, %and3A_52 : vector<16xi32>
      %add3A_54 = arith.constant 0 : i32
      %add3A_55 = vector.broadcast %add3A_54 : i32 to vector<16xi32>
      %add3A_56 = arith.addi %and3A_53, %add3A_55 : vector<16xi32>
      %mul3A_57 = arith.constant 16 : i32
      %mul3A_58 = arith.muli %scan3A_44, %mul3A_57 : i32
      %swap3A = arith.index_cast %mul3A_58 : i32 to index
      %swap3A_59 = tpu.vector_load %arg6[%swap3A] {strides = array<i32>} : memref<128xi32, #tpu.memory_space<vmem>>, vector<16xi32>,
      %swap3A_60 = vector.shape_cast %swap3A_59 : vector<16xi32> to vector<16xi32>
      %swap3A_61 = vector.shape_cast %add3A_56 : vector<16xi32> to vector<16xi32>
      tpu.vector_store %arg6[%swap3A], %swap3A_61 {strides = array<i32>} : memref<128xi32, #tpu.memory_space<vmem>>, vector<16xi32>,
      %shift_right_arithmetic3A = arith.constant 14 : i32
      %shift_right_arithmetic3A_62 = vector.broadcast %shift_right_arithmetic3A : i32 to vector<16xi32>
      %shift_right_arithmetic3A_63 = arith.shrsi %get3A_51, %shift_right_arithmetic3A_62 : vector<16xi32>
      %mul3A_64 = arith.constant 16 : i32
      %mul3A_65 = arith.muli %scan3A_44, %mul3A_64 : i32
      %swap3A_66 = arith.index_cast %mul3A_65 : i32 to index
      %swap3A_67 = tpu.vector_load %arg8[%swap3A_66] {strides = array<i32>} : memref<128xi32, #tpu.memory_space<vmem>>, vector<16xi32>,
      %swap3A_68 = vector.shape_cast %swap3A_67 : vector<16xi32> to vector<16xi32>
      %swap3A_69 = vector.shape_cast %shift_right_arithmetic3A_63 : vector<16xi32> to vector<16xi32>
      tpu.vector_store %arg8[%swap3A_66], %swap3A_69 {strides = array<i32>} : memref<128xi32, #tpu.memory_space<vmem>>, vector<16xi32>,
      %scan3A_70 = arith.constant 0 : i32
      scf.yield %scan3A_70 : i32
    }
    %scan3A_24 = arith.constant 8 : i32
    %dma_start3A = arith.constant 0 : i32
    %dma_start3A_25 = arith.constant 0 : i32
    %dma_start3A_26 = tpu.memref_slice %arg13[%dma_start3A, %dma_start3A_25] : memref<10240x64xf32, #tpu.memory_space<vmem_shared>> -> memref<10240x64xf32, #tpu.memory_space<vmem_shared>>
    tpu.enqueue_indirect_dma source(%dma_start3A_26 : memref<10240x64xf32, #tpu.memory_space<vmem_shared>>) target(%arg10 : memref<128x64xf32, #tpu.memory_space<vmem>>) offsets(%arg6 : memref<128xi32, #tpu.memory_space<vmem>>) semaphore(%arg14 : memref<!tpu.dma_semaphore, #tpu.memory_space<semaphore_mem>>)
    %scan3A_27 = arith.constant 0 : i32
    %scan3A_28 = arith.constant 0 : i32
    %scan3A_29 = arith.constant 79 : i32
    %scan3A_30 = arith.addi %scan3A_28, %scan3A_29 : i32
    %scan3A_31 = arith.constant 1 : i32
    %scan3A_32 = scf.for %scan3A_44 = %scan3A_28 to %scan3A_30 step %scan3A_31 iter_args(%scan3A_45 = %scan3A_27) -> (i32)  : i32 {
      %mul3A_46 = arith.constant 2 : i32
      %mul3A_47 = arith.muli %scan3A_44, %mul3A_46 : i32
      %add3A_48 = arith.constant 1 : i32
      %add3A_49 = arith.addi %mul3A_47, %add3A_48 : i32
      %scan3A_50 = arith.constant 0 : i32
      %scan3A_51 = arith.constant 0 : i32
      %scan3A_52 = arith.constant 8 : i32
      %scan3A_53 = arith.addi %scan3A_51, %scan3A_52 : i32
      %scan3A_54 = arith.constant 1 : i32
      %scan3A_55 = scf.for %scan3A_79 = %scan3A_51 to %scan3A_53 step %scan3A_54 iter_args(%scan3A_80 = %scan3A_50) -> (i32)  : i32 {
        %mul3A_81 = arith.constant 16 : i32
        %mul3A_82 = arith.muli %scan3A_79, %mul3A_81 : i32
        %get3A = arith.index_cast %add3A_49 : i32 to index
        %get3A_83 = arith.index_cast %mul3A_82 : i32 to index
        %get3A_84 = tpu.vector_load %arg5[%get3A, %get3A_83] {strides = array<i32>} : memref<159x128xi32, #tpu.memory_space<vmem>>, vector<1x16xi32>,
        %get3A_85 = vector.shape_cast %get3A_84 : vector<1x16xi32> to vector<16xi32>
        %and3A = arith.constant 16383 : i32
        %and3A_86 = vector.broadcast %and3A : i32 to vector<16xi32>
        %and3A_87 = arith.andi %get3A_85, %and3A_86 : vector<16xi32>
        %add3A_88 = arith.constant 0 : i32
        %add3A_89 = vector.broadcast %add3A_88 : i32 to vector<16xi32>
        %add3A_90 = arith.addi %and3A_87, %add3A_89 : vector<16xi32>
        %mul3A_91 = arith.constant 16 : i32
        %mul3A_92 = arith.muli %scan3A_79, %mul3A_91 : i32
        %swap3A = arith.index_cast %mul3A_92 : i32 to index
        %swap3A_93 = tpu.vector_load %arg7[%swap3A] {strides = array<i32>} : memref<128xi32, #tpu.memory_space<vmem>>, vector<16xi32>,
        %swap3A_94 = vector.shape_cast %swap3A_93 : vector<16xi32> to vector<16xi32>
        %swap3A_95 = vector.shape_cast %add3A_90 : vector<16xi32> to vector<16xi32>
        tpu.vector_store %arg7[%swap3A], %swap3A_95 {strides = array<i32>} : memref<128xi32, #tpu.memory_space<vmem>>, vector<16xi32>,
        %shift_right_arithmetic3A = arith.constant 14 : i32
        %shift_right_arithmetic3A_96 = vector.broadcast %shift_right_arithmetic3A : i32 to vector<16xi32>
        %shift_right_arithmetic3A_97 = arith.shrsi %get3A_85, %shift_right_arithmetic3A_96 : vector<16xi32>
        %mul3A_98 = arith.constant 16 : i32
        %mul3A_99 = arith.muli %scan3A_79, %mul3A_98 : i32
        %swap3A_100 = arith.index_cast %mul3A_99 : i32 to index
        %swap3A_101 = tpu.vector_load %arg9[%swap3A_100] {strides = array<i32>} : memref<128xi32, #tpu.memory_space<vmem>>, vector<16xi32>,
        %swap3A_102 = vector.shape_cast %swap3A_101 : vector<16xi32> to vector<16xi32>
        %swap3A_103 = vector.shape_cast %shift_right_arithmetic3A_97 : vector<16xi32> to vector<16xi32>
        tpu.vector_store %arg9[%swap3A_100], %swap3A_103 {strides = array<i32>} : memref<128xi32, #tpu.memory_space<vmem>>, vector<16xi32>,
        %scan3A_104 = arith.constant 0 : i32
        scf.yield %scan3A_104 : i32
      }
      %scan3A_56 = arith.constant 8 : i32
      %dma_start3A_57 = arith.constant 0 : i32
      %dma_start3A_58 = arith.constant 0 : i32
      %dma_start3A_59 = tpu.memref_slice %arg13[%dma_start3A_57, %dma_start3A_58] : memref<10240x64xf32, #tpu.memory_space<vmem_shared>> -> memref<10240x64xf32, #tpu.memory_space<vmem_shared>>
      tpu.enqueue_indirect_dma source(%dma_start3A_59 : memref<10240x64xf32, #tpu.memory_space<vmem_shared>>) target(%arg11 : memref<128x64xf32, #tpu.memory_space<vmem>>) offsets(%arg7 : memref<128xi32, #tpu.memory_space<vmem>>) semaphore(%arg15 : memref<!tpu.dma_semaphore, #tpu.memory_space<semaphore_mem>>)
      %dma_wait3A_60 = arith.constant 0 : i32
      %dma_wait3A_61 = arith.constant 0 : i32
      %dma_wait3A_62 = tpu.memref_slice %arg13[%dma_wait3A_60, %dma_wait3A_61] : memref<10240x64xf32, #tpu.memory_space<vmem_shared>> -> memref<10240x64xf32, #tpu.memory_space<vmem_shared>>
      tpu.wait_indirect_dma semaphore(%arg14 : memref<!tpu.dma_semaphore, #tpu.memory_space<semaphore_mem>>) src(%dma_wait3A_62 : memref<10240x64xf32, #tpu.memory_space<vmem_shared>>) dst(%arg10 : memref<128x64xf32, #tpu.memory_space<vmem>>)
      "tpu.region"() ({
        %run_scoped3A = tpu.sem_alloc : memref<!tpu.dma_semaphore, #tpu.memory_space<semaphore_mem>>
        %dma_start3A_79 = arith.constant 0 : i32
        %dma_start3A_80 = arith.constant 0 : i32
        %dma_start3A_81 = tpu.memref_slice %arg12[%dma_start3A_79, %dma_start3A_80] : memref<10240x64xf32, #tpu.memory_space<vmem_shared>> -> memref<10240x64xf32, #tpu.memory_space<vmem_shared>>
        tpu.enqueue_indirect_dma source(%arg10 : memref<128x64xf32, #tpu.memory_space<vmem>>) target(%dma_start3A_81 : memref<10240x64xf32, #tpu.memory_space<vmem_shared>>) offsets(%arg8 : memref<128xi32, #tpu.memory_space<vmem>>) semaphore(%run_scoped3A : memref<!tpu.dma_semaphore, #tpu.memory_space<semaphore_mem>>) {add = true}
        %dma_wait3A_82 = arith.constant 0 : i32
        %dma_wait3A_83 = arith.constant 0 : i32
        %dma_wait3A_84 = tpu.memref_slice %arg12[%dma_wait3A_82, %dma_wait3A_83] : memref<10240x64xf32, #tpu.memory_space<vmem_shared>> -> memref<10240x64xf32, #tpu.memory_space<vmem_shared>>
        tpu.wait_indirect_dma semaphore(%run_scoped3A : memref<!tpu.dma_semaphore, #tpu.memory_space<semaphore_mem>>) src(%arg10 : memref<128x64xf32, #tpu.memory_space<vmem>>) dst(%dma_wait3A_84 : memref<10240x64xf32, #tpu.memory_space<vmem_shared>>)
        tpu.yield
      }) : () -> ()
      %add3A_63 = arith.constant 2 : i32
      %add3A_64 = arith.addi %mul3A_47, %add3A_63 : i32
      %scan3A_65 = arith.constant 0 : i32
      %scan3A_66 = arith.constant 0 : i32
      %scan3A_67 = arith.constant 8 : i32
      %scan3A_68 = arith.addi %scan3A_66, %scan3A_67 : i32
      %scan3A_69 = arith.constant 1 : i32
      %scan3A_70 = scf.for %scan3A_79 = %scan3A_66 to %scan3A_68 step %scan3A_69 iter_args(%scan3A_80 = %scan3A_65) -> (i32)  : i32 {
        %mul3A_81 = arith.constant 16 : i32
        %mul3A_82 = arith.muli %scan3A_79, %mul3A_81 : i32
        %get3A = arith.index_cast %add3A_64 : i32 to index
        %get3A_83 = arith.index_cast %mul3A_82 : i32 to index
        %get3A_84 = tpu.vector_load %arg5[%get3A, %get3A_83] {strides = array<i32>} : memref<159x128xi32, #tpu.memory_space<vmem>>, vector<1x16xi32>,
        %get3A_85 = vector.shape_cast %get3A_84 : vector<1x16xi32> to vector<16xi32>
        %and3A = arith.constant 16383 : i32
        %and3A_86 = vector.broadcast %and3A : i32 to vector<16xi32>
        %and3A_87 = arith.andi %get3A_85, %and3A_86 : vector<16xi32>
        %add3A_88 = arith.constant 0 : i32
        %add3A_89 = vector.broadcast %add3A_88 : i32 to vector<16xi32>
        %add3A_90 = arith.addi %and3A_87, %add3A_89 : vector<16xi32>
        %mul3A_91 = arith.constant 16 : i32
        %mul3A_92 = arith.muli %scan3A_79, %mul3A_91 : i32
        %swap3A = arith.index_cast %mul3A_92 : i32 to index
        %swap3A_93 = tpu.vector_load %arg6[%swap3A] {strides = array<i32>} : memref<128xi32, #tpu.memory_space<vmem>>, vector<16xi32>,
        %swap3A_94 = vector.shape_cast %swap3A_93 : vector<16xi32> to vector<16xi32>
        %swap3A_95 = vector.shape_cast %add3A_90 : vector<16xi32> to vector<16xi32>
        tpu.vector_store %arg6[%swap3A], %swap3A_95 {strides = array<i32>} : memref<128xi32, #tpu.memory_space<vmem>>, vector<16xi32>,
        %shift_right_arithmetic3A = arith.constant 14 : i32
        %shift_right_arithmetic3A_96 = vector.broadcast %shift_right_arithmetic3A : i32 to vector<16xi32>
        %shift_right_arithmetic3A_97 = arith.shrsi %get3A_85, %shift_right_arithmetic3A_96 : vector<16xi32>
        %mul3A_98 = arith.constant 16 : i32
        %mul3A_99 = arith.muli %scan3A_79, %mul3A_98 : i32
        %swap3A_100 = arith.index_cast %mul3A_99 : i32 to index
        %swap3A_101 = tpu.vector_load %arg8[%swap3A_100] {strides = array<i32>} : memref<128xi32, #tpu.memory_space<vmem>>, vector<16xi32>,
        %swap3A_102 = vector.shape_cast %swap3A_101 : vector<16xi32> to vector<16xi32>
        %swap3A_103 = vector.shape_cast %shift_right_arithmetic3A_97 : vector<16xi32> to vector<16xi32>
        tpu.vector_store %arg8[%swap3A_100], %swap3A_103 {strides = array<i32>} : memref<128xi32, #tpu.memory_space<vmem>>, vector<16xi32>,
        %scan3A_104 = arith.constant 0 : i32
        scf.yield %scan3A_104 : i32
      }
      %scan3A_71 = arith.constant 8 : i32
      %dma_start3A_72 = arith.constant 0 : i32
      %dma_start3A_73 = arith.constant 0 : i32
      %dma_start3A_74 = tpu.memref_slice %arg13[%dma_start3A_72, %dma_start3A_73] : memref<10240x64xf32, #tpu.memory_space<vmem_shared>> -> memref<10240x64xf32, #tpu.memory_space<vmem_shared>>
      tpu.enqueue_indirect_dma source(%dma_start3A_74 : memref<10240x64xf32, #tpu.memory_space<vmem_shared>>) target(%arg10 : memref<128x64xf32, #tpu.memory_space<vmem>>) offsets(%arg6 : memref<128xi32, #tpu.memory_space<vmem>>) semaphore(%arg14 : memref<!tpu.dma_semaphore, #tpu.memory_space<semaphore_mem>>)
      %dma_wait3A_75 = arith.constant 0 : i32
      %dma_wait3A_76 = arith.constant 0 : i32
      %dma_wait3A_77 = tpu.memref_slice %arg13[%dma_wait3A_75, %dma_wait3A_76] : memref<10240x64xf32, #tpu.memory_space<vmem_shared>> -> memref<10240x64xf32, #tpu.memory_space<vmem_shared>>
      tpu.wait_indirect_dma semaphore(%arg15 : memref<!tpu.dma_semaphore, #tpu.memory_space<semaphore_mem>>) src(%dma_wait3A_77 : memref<10240x64xf32, #tpu.memory_space<vmem_shared>>) dst(%arg11 : memref<128x64xf32, #tpu.memory_space<vmem>>)
      "tpu.region"() ({
        %run_scoped3A = tpu.sem_alloc : memref<!tpu.dma_semaphore, #tpu.memory_space<semaphore_mem>>
        %dma_start3A_79 = arith.constant 0 : i32
        %dma_start3A_80 = arith.constant 0 : i32
        %dma_start3A_81 = tpu.memref_slice %arg12[%dma_start3A_79, %dma_start3A_80] : memref<10240x64xf32, #tpu.memory_space<vmem_shared>> -> memref<10240x64xf32, #tpu.memory_space<vmem_shared>>
        tpu.enqueue_indirect_dma source(%arg11 : memref<128x64xf32, #tpu.memory_space<vmem>>) target(%dma_start3A_81 : memref<10240x64xf32, #tpu.memory_space<vmem_shared>>) offsets(%arg9 : memref<128xi32, #tpu.memory_space<vmem>>) semaphore(%run_scoped3A : memref<!tpu.dma_semaphore, #tpu.memory_space<semaphore_mem>>) {add = true}
        %dma_wait3A_82 = arith.constant 0 : i32
        %dma_wait3A_83 = arith.constant 0 : i32
        %dma_wait3A_84 = tpu.memref_slice %arg12[%dma_wait3A_82, %dma_wait3A_83] : memref<10240x64xf32, #tpu.memory_space<vmem_shared>> -> memref<10240x64xf32, #tpu.memory_space<vmem_shared>>
        tpu.wait_indirect_dma semaphore(%run_scoped3A : memref<!tpu.dma_semaphore, #tpu.memory_space<semaphore_mem>>) src(%arg11 : memref<128x64xf32, #tpu.memory_space<vmem>>) dst(%dma_wait3A_84 : memref<10240x64xf32, #tpu.memory_space<vmem_shared>>)
        tpu.yield
      }) : () -> ()
      %scan3A_78 = arith.constant 0 : i32
      scf.yield %scan3A_78 : i32
    }
    %scan3A_33 = arith.constant 79 : i32
    %dma_wait3A = arith.constant 0 : i32
    %dma_wait3A_34 = arith.constant 0 : i32
    %dma_wait3A_35 = tpu.memref_slice %arg13[%dma_wait3A, %dma_wait3A_34] : memref<10240x64xf32, #tpu.memory_space<vmem_shared>> -> memref<10240x64xf32, #tpu.memory_space<vmem_shared>>
    tpu.wait_indirect_dma semaphore(%arg14 : memref<!tpu.dma_semaphore, #tpu.memory_space<semaphore_mem>>) src(%dma_wait3A_35 : memref<10240x64xf32, #tpu.memory_space<vmem_shared>>) dst(%arg10 : memref<128x64xf32, #tpu.memory_space<vmem>>)
    %barrier3A_36 = arith.constant 0 : index
    tpu.barrier barrier_id(%barrier3A_36)
    %scan3A_37 = arith.constant 0 : i32
    %scan3A_38 = arith.constant 0 : i32
    %scan3A_39 = arith.constant 5 : i32
    %scan3A_40 = arith.addi %scan3A_38, %scan3A_39 : i32
    %scan3A_41 = arith.constant 1 : i32
    %scan3A_42 = scf.for %scan3A_44 = %scan3A_38 to %scan3A_40 step %scan3A_41 iter_args(%scan3A_45 = %scan3A_37) -> (i32)  : i32 {
      %mul3A_46 = arith.constant 640 : i32
      %mul3A_47 = arith.muli %arg1, %mul3A_46 : i32
      %mul3A_48 = arith.constant 128 : i32
      %mul3A_49 = arith.muli %scan3A_44, %mul3A_48 : i32
      %add3A_50 = arith.addi %mul3A_47, %mul3A_49 : i32
      %mul3A_51 = arith.constant 10240 : i32
      %mul3A_52 = arith.muli %arg0, %mul3A_51 : i32
      %add3A_53 = arith.addi %mul3A_52, %add3A_50 : i32
      "tpu.region"() ({
        %run_scoped3A = tpu.sem_alloc : memref<!tpu.dma_semaphore, #tpu.memory_space<semaphore_mem>>
        %dma_start3A_55 = arith.constant 0 : i32
        %dma_start3A_56 = tpu.memref_slice %arg4[%add3A_53, %dma_start3A_55] : memref<20480x64xf32, #tpu.memory_space<hbm>> -> memref<128x64xf32, #tpu.memory_space<hbm>>
        %dma_start3A_57 = arith.constant 0 : i32
        %dma_start3A_58 = tpu.memref_slice %arg12[%add3A_50, %dma_start3A_57] : memref<10240x64xf32, #tpu.memory_space<vmem_shared>> -> memref<128x64xf32, #tpu.memory_space<vmem_shared>>
        tpu.enqueue_dma source(%dma_start3A_58 : memref<128x64xf32, #tpu.memory_space<vmem_shared>>) target(%dma_start3A_56 : memref<128x64xf32, #tpu.memory_space<hbm>>) target_semaphore(%run_scoped3A : memref<!tpu.dma_semaphore, #tpu.memory_space<semaphore_mem>>)
        %dma_wait3A_59 = arith.constant 0 : i32
        %dma_wait3A_60 = tpu.memref_slice %arg4[%add3A_53, %dma_wait3A_59] : memref<20480x64xf32, #tpu.memory_space<hbm>> -> memref<128x64xf32, #tpu.memory_space<hbm>>
        %dma_wait3A_61 = arith.constant 0 : i32
        %dma_wait3A_62 = tpu.memref_slice %arg12[%add3A_50, %dma_wait3A_61] : memref<10240x64xf32, #tpu.memory_space<vmem_shared>> -> memref<128x64xf32, #tpu.memory_space<vmem_shared>>
        tpu.wait_dma2 semaphore(%run_scoped3A : memref<!tpu.dma_semaphore, #tpu.memory_space<semaphore_mem>>) src(%dma_wait3A_62 : memref<128x64xf32, #tpu.memory_space<vmem_shared>>) dst(%dma_wait3A_60 : memref<128x64xf32, #tpu.memory_space<hbm>>)
        tpu.yield
      }) : () -> ()
      %scan3A_54 = arith.constant 0 : i32
      scf.yield %scan3A_54 : i32
    }
    %scan3A_43 = arith.constant 5 : i32
    return
  }
}

#map = affine_map<(d0, d1) -> (0, 0)>
#map1 = affine_map<(d0, d1) -> (0, 0, 0)>
module attributes {stable_mosaic.version = 14 : i64} {
  func.func @seg_sum(%arg0: i32, %arg1: i32, %arg2: memref<20480x64xf32, #tpu.memory_space<hbm>>, %arg3: memref<16x159x128xi32, #tpu.memory_space<hbm>>, %arg4: memref<20480x64xf32, #tpu.memory_space<hbm>>, %arg5: memref<159x128xi32, #tpu.memory_space<vmem>>, %arg6: memref<128xi32, #tpu.memory_space<vmem>>, %arg7: memref<128xi32, #tpu.memory_space<vmem>>, %arg8: memref<128xi32, #tpu.memory_space<vmem>>, %arg9: memref<128xi32, #tpu.memory_space<vmem>>, %arg10: memref<128x64xf32, #tpu.memory_space<vmem>>, %arg11: memref<128x64xf32, #tpu.memory_space<vmem>>, %arg12: memref<10240x64xf32, #tpu.memory_space<vmem_shared>>, %arg13: memref<10240x64xf32, #tpu.memory_space<vmem_shared>>, %arg14: memref<!tpu.dma_semaphore, #tpu.memory_space<semaphore_mem>>, %arg15: memref<!tpu.dma_semaphore, #tpu.memory_space<semaphore_mem>>) attributes {dimension_semantics = [#tpu.dimension_semantics<core_parallel>, #tpu.dimension_semantics<subcore_parallel>], iteration_bounds = array<i64: 2, 16>, scalar_prefetch = 0 : i64, scratch_operands = 11 : i64, tpu.core_type = #tpu.core_type<sc_vector_subcore>, window_params = [{transform_indices = #map}, {transform_indices = #map1}, {transform_indices = #map}]} {
    "tpu.region"() ({
      %run_scoped3A = tpu.sem_alloc : memref<!tpu.dma_semaphore, #tpu.memory_space<semaphore_mem>>
      %dma_start3A_44 = arith.constant 0 : i32
      %dma_start3A_45 = arith.constant 0 : i32
      %dma_start3A_46 = tpu.memref_slice %arg3[%arg1, %dma_start3A_44, %dma_start3A_45] : memref<16x159x128xi32, #tpu.memory_space<hbm>> -> memref<1x159x128xi32, #tpu.memory_space<hbm>>
      %dma_start3A_47 = tpu.memref_squeeze %dma_start3A_46 : memref<1x159x128xi32, #tpu.memory_space<hbm>> -> memref<159x128xi32, #tpu.memory_space<hbm>>
      %dma_start3A_48 = arith.constant 0 : i32
      %dma_start3A_49 = arith.constant 0 : i32
      %dma_start3A_50 = tpu.memref_slice %arg3[%arg1, %dma_start3A_48, %dma_start3A_49] : memref<16x159x128xi32, #tpu.memory_space<hbm>> -> memref<1x159x128xi32, #tpu.memory_space<hbm>>
      %dma_start3A_51 = tpu.memref_squeeze %dma_start3A_50 : memref<1x159x128xi32, #tpu.memory_space<hbm>> -> memref<159x128xi32, #tpu.memory_space<hbm>>
      tpu.enqueue_dma source(%dma_start3A_51 : memref<159x128xi32, #tpu.memory_space<hbm>>) target(%arg5 : memref<159x128xi32, #tpu.memory_space<vmem>>) target_semaphore(%run_scoped3A : memref<!tpu.dma_semaphore, #tpu.memory_space<semaphore_mem>>)
      %dma_wait3A_52 = arith.constant 0 : i32
      %dma_wait3A_53 = arith.constant 0 : i32
      %dma_wait3A_54 = tpu.memref_slice %arg3[%arg1, %dma_wait3A_52, %dma_wait3A_53] : memref<16x159x128xi32, #tpu.memory_space<hbm>> -> memref<1x159x128xi32, #tpu.memory_space<hbm>>
      %dma_wait3A_55 = tpu.memref_squeeze %dma_wait3A_54 : memref<1x159x128xi32, #tpu.memory_space<hbm>> -> memref<159x128xi32, #tpu.memory_space<hbm>>
      %dma_wait3A_56 = arith.constant 0 : i32
      %dma_wait3A_57 = arith.constant 0 : i32
      %dma_wait3A_58 = tpu.memref_slice %arg3[%arg1, %dma_wait3A_56, %dma_wait3A_57] : memref<16x159x128xi32, #tpu.memory_space<hbm>> -> memref<1x159x128xi32, #tpu.memory_space<hbm>>
      %dma_wait3A_59 = tpu.memref_squeeze %dma_wait3A_58 : memref<1x159x128xi32, #tpu.memory_space<hbm>> -> memref<159x128xi32, #tpu.memory_space<hbm>>
      tpu.wait_dma2 semaphore(%run_scoped3A : memref<!tpu.dma_semaphore, #tpu.memory_space<semaphore_mem>>) src(%dma_wait3A_59 : memref<159x128xi32, #tpu.memory_space<hbm>>) dst(%arg5 : memref<159x128xi32, #tpu.memory_space<vmem>>)
      tpu.yield
    }) : () -> ()
    %mul3A = arith.constant 10240 : i32
    %mul3A_0 = arith.muli %arg0, %mul3A : i32
    %mul3A_1 = arith.constant 640 : i32
    %mul3A_2 = arith.muli %arg1, %mul3A_1 : i32
    %add3A = arith.addi %mul3A_0, %mul3A_2 : i32
    %mul3A_3 = arith.constant 640 : i32
    %mul3A_4 = arith.muli %arg1, %mul3A_3 : i32
    "tpu.region"() ({
      %run_scoped3A = tpu.sem_alloc : memref<!tpu.dma_semaphore, #tpu.memory_space<semaphore_mem>>
      %dma_start3A_44 = arith.constant 0 : i32
      %dma_start3A_45 = tpu.memref_slice %arg13[%mul3A_4, %dma_start3A_44] : memref<10240x64xf32, #tpu.memory_space<vmem_shared>> -> memref<640x64xf32, #tpu.memory_space<vmem_shared>>
      %dma_start3A_46 = arith.constant 0 : i32
      %dma_start3A_47 = tpu.memref_slice %arg2[%add3A, %dma_start3A_46] : memref<20480x64xf32, #tpu.memory_space<hbm>> -> memref<640x64xf32, #tpu.memory_space<hbm>>
      tpu.enqueue_dma source(%dma_start3A_47 : memref<640x64xf32, #tpu.memory_space<hbm>>) target(%dma_start3A_45 : memref<640x64xf32, #tpu.memory_space<vmem_shared>>) target_semaphore(%run_scoped3A : memref<!tpu.dma_semaphore, #tpu.memory_space<semaphore_mem>>)
      %dma_wait3A_48 = arith.constant 0 : i32
      %dma_wait3A_49 = tpu.memref_slice %arg13[%mul3A_4, %dma_wait3A_48] : memref<10240x64xf32, #tpu.memory_space<vmem_shared>> -> memref<640x64xf32, #tpu.memory_space<vmem_shared>>
      %dma_wait3A_50 = arith.constant 0 : i32
      %dma_wait3A_51 = tpu.memref_slice %arg2[%add3A, %dma_wait3A_50] : memref<20480x64xf32, #tpu.memory_space<hbm>> -> memref<640x64xf32, #tpu.memory_space<hbm>>
      tpu.wait_dma2 semaphore(%run_scoped3A : memref<!tpu.dma_semaphore, #tpu.memory_space<semaphore_mem>>) src(%dma_wait3A_51 : memref<640x64xf32, #tpu.memory_space<hbm>>) dst(%dma_wait3A_49 : memref<640x64xf32, #tpu.memory_space<vmem_shared>>)
      tpu.yield
    }) : () -> ()
    %scan3A = arith.constant 0 : i32
    %scan3A_5 = arith.constant 0 : i32
    %scan3A_6 = arith.constant 512 : i32
    %scan3A_7 = arith.addi %scan3A_5, %scan3A_6 : i32
    %scan3A_8 = arith.constant 1 : i32
    %scan3A_9 = scf.for %scan3A_44 = %scan3A_5 to %scan3A_7 step %scan3A_8 iter_args(%scan3A_45 = %scan3A) -> (i32)  : i32 {
      %jit3A = arith.constant 4 : i32
      %div3A = arith.divsi %scan3A_44, %jit3A : i32
      %sign3A = arith.constant 0 : i32
      %sign3A_46 = arith.cmpi sgt, %scan3A_44, %sign3A : i32
      %sign3A_47 = arith.extui %sign3A_46 : i1 to i32
      %sign3A_48 = arith.constant 0 : i32
      %sign3A_49 = arith.cmpi slt, %scan3A_44, %sign3A_48 : i32
      %sign3A_50 = arith.extui %sign3A_49 : i1 to i32
      %sign3A_51 = arith.subi %sign3A_47, %sign3A_50 : i32
      %sign3A_52 = arith.constant 0 : i32
      %sign3A_53 = arith.cmpi sgt, %jit3A, %sign3A_52 : i32
      %sign3A_54 = arith.extui %sign3A_53 : i1 to i32
      %sign3A_55 = arith.constant 0 : i32
      %sign3A_56 = arith.cmpi slt, %jit3A, %sign3A_55 : i32
      %sign3A_57 = arith.extui %sign3A_56 : i1 to i32
      %sign3A_58 = arith.subi %sign3A_54, %sign3A_57 : i32
      %ne3A = arith.cmpi ne, %sign3A_51, %sign3A_58 : i32
      %rem3A = arith.remsi %scan3A_44, %jit3A : i32
      %ne3A_59 = arith.constant 0 : i32
      %ne3A_60 = arith.cmpi ne, %rem3A, %ne3A_59 : i32
      %and3A = arith.andi %ne3A, %ne3A_60 : i1
      %sub3A = arith.constant 1 : i32
      %sub3A_61 = arith.subi %div3A, %sub3A : i32
      %select_n3A = arith.select %and3A, %sub3A_61, %div3A : i32
      %jit3A_62 = arith.constant 4 : i32
      %eq3A = arith.constant 0 : i32
      %eq3A_63 = arith.cmpi eq, %jit3A_62, %eq3A : i32
      %jit3A_64 = arith.constant 1 : i32
      %select_n3A_65 = arith.select %eq3A_63, %jit3A_64, %jit3A_62 : i32
      %rem3A_66 = arith.remsi %scan3A_44, %select_n3A_65 : i32
      %ne3A_67 = arith.constant 0 : i32
      %ne3A_68 = arith.cmpi ne, %rem3A_66, %ne3A_67 : i32
      %lt3A = arith.constant 0 : i32
      %lt3A_69 = arith.cmpi slt, %rem3A_66, %lt3A : i32
      %lt3A_70 = arith.constant 0 : i32
      %lt3A_71 = arith.cmpi slt, %select_n3A_65, %lt3A_70 : i32
      %ne3A_72 = arith.xori %lt3A_69, %lt3A_71 : i1
      %and3A_73 = arith.andi %ne3A_72, %ne3A_68 : i1
      %add3A_74 = arith.addi %rem3A_66, %select_n3A_65 : i32
      %select_n3A_75 = arith.select %and3A_73, %add3A_74, %rem3A_66 : i32
      %mul3A_76 = arith.constant 16 : i32
      %mul3A_77 = arith.muli %select_n3A_75, %mul3A_76 : i32
      %broadcast_in_dim3A = arith.constant 0.000000e+00 : f32
      %broadcast_in_dim3A_78 = vector.broadcast %broadcast_in_dim3A : f32 to vector<16xf32>
      %swap3A = arith.index_cast %select_n3A : i32 to index
      %swap3A_79 = arith.index_cast %mul3A_77 : i32 to index
      %swap3A_80 = tpu.vector_load %arg10[%swap3A, %swap3A_79] {strides = array<i32>} : memref<128x64xf32, #tpu.memory_space<vmem>>, vector<1x16xf32>,
      %swap3A_81 = vector.shape_cast %swap3A_80 : vector<1x16xf32> to vector<16xf32>
      %swap3A_82 = vector.shape_cast %broadcast_in_dim3A_78 : vector<16xf32> to vector<1x16xf32>
      tpu.vector_store %arg10[%swap3A, %swap3A_79], %swap3A_82 {strides = array<i32>} : memref<128x64xf32, #tpu.memory_space<vmem>>, vector<1x16xf32>,
      %scan3A_83 = arith.constant 0 : i32
      scf.yield %scan3A_83 : i32
    }
    %scan3A_10 = arith.constant 512 : i32
    %scan3A_11 = arith.constant 0 : i32
    %scan3A_12 = arith.constant 0 : i32
    %scan3A_13 = arith.constant 5 : i32
    %scan3A_14 = arith.addi %scan3A_12, %scan3A_13 : i32
    %scan3A_15 = arith.constant 1 : i32
    %scan3A_16 = scf.for %scan3A_44 = %scan3A_12 to %scan3A_14 step %scan3A_15 iter_args(%scan3A_45 = %scan3A_11) -> (i32)  : i32 {
      %mul3A_46 = arith.constant 640 : i32
      %mul3A_47 = arith.muli %arg1, %mul3A_46 : i32
      %mul3A_48 = arith.constant 128 : i32
      %mul3A_49 = arith.muli %scan3A_44, %mul3A_48 : i32
      %add3A_50 = arith.addi %mul3A_47, %mul3A_49 : i32
      "tpu.region"() ({
        %run_scoped3A = tpu.sem_alloc : memref<!tpu.dma_semaphore, #tpu.memory_space<semaphore_mem>>
        %dma_start3A_52 = arith.constant 0 : i32
        %dma_start3A_53 = tpu.memref_slice %arg12[%add3A_50, %dma_start3A_52] : memref<10240x64xf32, #tpu.memory_space<vmem_shared>> -> memref<128x64xf32, #tpu.memory_space<vmem_shared>>
        %dma_start3A_54 = arith.constant 0 : i32
        %dma_start3A_55 = tpu.memref_slice %arg12[%add3A_50, %dma_start3A_54] : memref<10240x64xf32, #tpu.memory_space<vmem_shared>> -> memref<128x64xf32, #tpu.memory_space<vmem_shared>>
        tpu.enqueue_dma source(%arg10 : memref<128x64xf32, #tpu.memory_space<vmem>>) target(%dma_start3A_55 : memref<128x64xf32, #tpu.memory_space<vmem_shared>>) target_semaphore(%run_scoped3A : memref<!tpu.dma_semaphore, #tpu.memory_space<semaphore_mem>>)
        %dma_wait3A_56 = arith.constant 0 : i32
        %dma_wait3A_57 = tpu.memref_slice %arg12[%add3A_50, %dma_wait3A_56] : memref<10240x64xf32, #tpu.memory_space<vmem_shared>> -> memref<128x64xf32, #tpu.memory_space<vmem_shared>>
        %dma_wait3A_58 = arith.constant 0 : i32
        %dma_wait3A_59 = tpu.memref_slice %arg12[%add3A_50, %dma_wait3A_58] : memref<10240x64xf32, #tpu.memory_space<vmem_shared>> -> memref<128x64xf32, #tpu.memory_space<vmem_shared>>
        tpu.wait_dma2 semaphore(%run_scoped3A : memref<!tpu.dma_semaphore, #tpu.memory_space<semaphore_mem>>) src(%arg10 : memref<128x64xf32, #tpu.memory_space<vmem>>) dst(%dma_wait3A_59 : memref<128x64xf32, #tpu.memory_space<vmem_shared>>)
        tpu.yield
      }) : () -> ()
      %scan3A_51 = arith.constant 0 : i32
      scf.yield %scan3A_51 : i32
    }
    %scan3A_17 = arith.constant 5 : i32
    %barrier3A = arith.constant 0 : index
    tpu.barrier barrier_id(%barrier3A)
    %scan3A_18 = arith.constant 0 : i32
    %scan3A_19 = arith.constant 0 : i32
    %scan3A_20 = arith.constant 8 : i32
    %scan3A_21 = arith.addi %scan3A_19, %scan3A_20 : i32
    %scan3A_22 = arith.constant 1 : i32
    %scan3A_23 = scf.for %scan3A_44 = %scan3A_19 to %scan3A_21 step %scan3A_22 iter_args(%scan3A_45 = %scan3A_18) -> (i32)  : i32 {
      %mul3A_46 = arith.constant 16 : i32
      %mul3A_47 = arith.muli %scan3A_44, %mul3A_46 : i32
      %get3A = arith.constant 0 : i32
      %get3A_48 = arith.index_cast %get3A : i32 to index
      %get3A_49 = arith.index_cast %mul3A_47 : i32 to index
      %get3A_50 = tpu.vector_load %arg5[%get3A_48, %get3A_49] {strides = array<i32>} : memref<159x128xi32, #tpu.memory_space<vmem>>, vector<1x16xi32>,
      %get3A_51 = vector.shape_cast %get3A_50 : vector<1x16xi32> to vector<16xi32>
      %and3A = arith.constant 16383 : i32
      %and3A_52 = vector.broadcast %and3A : i32 to vector<16xi32>
      %and3A_53 = arith.andi %get3A_51, %and3A_52 : vector<16xi32>
      %add3A_54 = arith.constant 0 : i32
      %add3A_55 = vector.broadcast %add3A_54 : i32 to vector<16xi32>
      %add3A_56 = arith.addi %and3A_53, %add3A_55 : vector<16xi32>
      %mul3A_57 = arith.constant 16 : i32
      %mul3A_58 = arith.muli %scan3A_44, %mul3A_57 : i32
      %swap3A = arith.index_cast %mul3A_58 : i32 to index
      %swap3A_59 = tpu.vector_load %arg6[%swap3A] {strides = array<i32>} : memref<128xi32, #tpu.memory_space<vmem>>, vector<16xi32>,
      %swap3A_60 = vector.shape_cast %swap3A_59 : vector<16xi32> to vector<16xi32>
      %swap3A_61 = vector.shape_cast %add3A_56 : vector<16xi32> to vector<16xi32>
      tpu.vector_store %arg6[%swap3A], %swap3A_61 {strides = array<i32>} : memref<128xi32, #tpu.memory_space<vmem>>, vector<16xi32>,
      %shift_right_arithmetic3A = arith.constant 14 : i32
      %shift_right_arithmetic3A_62 = vector.broadcast %shift_right_arithmetic3A : i32 to vector<16xi32>
      %shift_right_arithmetic3A_63 = arith.shrsi %get3A_51, %shift_right_arithmetic3A_62 : vector<16xi32>
      %mul3A_64 = arith.constant 16 : i32
      %mul3A_65 = arith.muli %scan3A_44, %mul3A_64 : i32
      %swap3A_66 = arith.index_cast %mul3A_65 : i32 to index
      %swap3A_67 = tpu.vector_load %arg8[%swap3A_66] {strides = array<i32>} : memref<128xi32, #tpu.memory_space<vmem>>, vector<16xi32>,
      %swap3A_68 = vector.shape_cast %swap3A_67 : vector<16xi32> to vector<16xi32>
      %swap3A_69 = vector.shape_cast %shift_right_arithmetic3A_63 : vector<16xi32> to vector<16xi32>
      tpu.vector_store %arg8[%swap3A_66], %swap3A_69 {strides = array<i32>} : memref<128xi32, #tpu.memory_space<vmem>>, vector<16xi32>,
      %scan3A_70 = arith.constant 0 : i32
      scf.yield %scan3A_70 : i32
    }
    %scan3A_24 = arith.constant 8 : i32
    %dma_start3A = arith.constant 0 : i32
    %dma_start3A_25 = arith.constant 0 : i32
    %dma_start3A_26 = tpu.memref_slice %arg13[%dma_start3A, %dma_start3A_25] : memref<10240x64xf32, #tpu.memory_space<vmem_shared>> -> memref<10240x64xf32, #tpu.memory_space<vmem_shared>>
    tpu.enqueue_indirect_dma source(%dma_start3A_26 : memref<10240x64xf32, #tpu.memory_space<vmem_shared>>) target(%arg10 : memref<128x64xf32, #tpu.memory_space<vmem>>) offsets(%arg6 : memref<128xi32, #tpu.memory_space<vmem>>) semaphore(%arg14 : memref<!tpu.dma_semaphore, #tpu.memory_space<semaphore_mem>>)
    %scan3A_27 = arith.constant 0 : i32
    %scan3A_28 = arith.constant 0 : i32
    %scan3A_29 = arith.constant 79 : i32
    %scan3A_30 = arith.addi %scan3A_28, %scan3A_29 : i32
    %scan3A_31 = arith.constant 1 : i32
    %scan3A_32 = scf.for %scan3A_44 = %scan3A_28 to %scan3A_30 step %scan3A_31 iter_args(%scan3A_45 = %scan3A_27) -> (i32)  : i32 {
      %mul3A_46 = arith.constant 2 : i32
      %mul3A_47 = arith.muli %scan3A_44, %mul3A_46 : i32
      %add3A_48 = arith.constant 1 : i32
      %add3A_49 = arith.addi %mul3A_47, %add3A_48 : i32
      %scan3A_50 = arith.constant 0 : i32
      %scan3A_51 = arith.constant 0 : i32
      %scan3A_52 = arith.constant 8 : i32
      %scan3A_53 = arith.addi %scan3A_51, %scan3A_52 : i32
      %scan3A_54 = arith.constant 1 : i32
      %scan3A_55 = scf.for %scan3A_79 = %scan3A_51 to %scan3A_53 step %scan3A_54 iter_args(%scan3A_80 = %scan3A_50) -> (i32)  : i32 {
        %mul3A_81 = arith.constant 16 : i32
        %mul3A_82 = arith.muli %scan3A_79, %mul3A_81 : i32
        %get3A = arith.index_cast %add3A_49 : i32 to index
        %get3A_83 = arith.index_cast %mul3A_82 : i32 to index
        %get3A_84 = tpu.vector_load %arg5[%get3A, %get3A_83] {strides = array<i32>} : memref<159x128xi32, #tpu.memory_space<vmem>>, vector<1x16xi32>,
        %get3A_85 = vector.shape_cast %get3A_84 : vector<1x16xi32> to vector<16xi32>
        %and3A = arith.constant 16383 : i32
        %and3A_86 = vector.broadcast %and3A : i32 to vector<16xi32>
        %and3A_87 = arith.andi %get3A_85, %and3A_86 : vector<16xi32>
        %add3A_88 = arith.constant 0 : i32
        %add3A_89 = vector.broadcast %add3A_88 : i32 to vector<16xi32>
        %add3A_90 = arith.addi %and3A_87, %add3A_89 : vector<16xi32>
        %mul3A_91 = arith.constant 16 : i32
        %mul3A_92 = arith.muli %scan3A_79, %mul3A_91 : i32
        %swap3A = arith.index_cast %mul3A_92 : i32 to index
        %swap3A_93 = tpu.vector_load %arg7[%swap3A] {strides = array<i32>} : memref<128xi32, #tpu.memory_space<vmem>>, vector<16xi32>,
        %swap3A_94 = vector.shape_cast %swap3A_93 : vector<16xi32> to vector<16xi32>
        %swap3A_95 = vector.shape_cast %add3A_90 : vector<16xi32> to vector<16xi32>
        tpu.vector_store %arg7[%swap3A], %swap3A_95 {strides = array<i32>} : memref<128xi32, #tpu.memory_space<vmem>>, vector<16xi32>,
        %shift_right_arithmetic3A = arith.constant 14 : i32
        %shift_right_arithmetic3A_96 = vector.broadcast %shift_right_arithmetic3A : i32 to vector<16xi32>
        %shift_right_arithmetic3A_97 = arith.shrsi %get3A_85, %shift_right_arithmetic3A_96 : vector<16xi32>
        %mul3A_98 = arith.constant 16 : i32
        %mul3A_99 = arith.muli %scan3A_79, %mul3A_98 : i32
        %swap3A_100 = arith.index_cast %mul3A_99 : i32 to index
        %swap3A_101 = tpu.vector_load %arg9[%swap3A_100] {strides = array<i32>} : memref<128xi32, #tpu.memory_space<vmem>>, vector<16xi32>,
        %swap3A_102 = vector.shape_cast %swap3A_101 : vector<16xi32> to vector<16xi32>
        %swap3A_103 = vector.shape_cast %shift_right_arithmetic3A_97 : vector<16xi32> to vector<16xi32>
        tpu.vector_store %arg9[%swap3A_100], %swap3A_103 {strides = array<i32>} : memref<128xi32, #tpu.memory_space<vmem>>, vector<16xi32>,
        %scan3A_104 = arith.constant 0 : i32
        scf.yield %scan3A_104 : i32
      }
      %scan3A_56 = arith.constant 8 : i32
      %dma_start3A_57 = arith.constant 0 : i32
      %dma_start3A_58 = arith.constant 0 : i32
      %dma_start3A_59 = tpu.memref_slice %arg13[%dma_start3A_57, %dma_start3A_58] : memref<10240x64xf32, #tpu.memory_space<vmem_shared>> -> memref<10240x64xf32, #tpu.memory_space<vmem_shared>>
      tpu.enqueue_indirect_dma source(%dma_start3A_59 : memref<10240x64xf32, #tpu.memory_space<vmem_shared>>) target(%arg11 : memref<128x64xf32, #tpu.memory_space<vmem>>) offsets(%arg7 : memref<128xi32, #tpu.memory_space<vmem>>) semaphore(%arg15 : memref<!tpu.dma_semaphore, #tpu.memory_space<semaphore_mem>>)
      %dma_wait3A_60 = arith.constant 0 : i32
      %dma_wait3A_61 = arith.constant 0 : i32
      %dma_wait3A_62 = tpu.memref_slice %arg13[%dma_wait3A_60, %dma_wait3A_61] : memref<10240x64xf32, #tpu.memory_space<vmem_shared>> -> memref<10240x64xf32, #tpu.memory_space<vmem_shared>>
      tpu.wait_indirect_dma semaphore(%arg14 : memref<!tpu.dma_semaphore, #tpu.memory_space<semaphore_mem>>) src(%dma_wait3A_62 : memref<10240x64xf32, #tpu.memory_space<vmem_shared>>) dst(%arg10 : memref<128x64xf32, #tpu.memory_space<vmem>>)
      "tpu.region"() ({
        %run_scoped3A = tpu.sem_alloc : memref<!tpu.dma_semaphore, #tpu.memory_space<semaphore_mem>>
        %dma_start3A_79 = arith.constant 0 : i32
        %dma_start3A_80 = arith.constant 0 : i32
        %dma_start3A_81 = tpu.memref_slice %arg12[%dma_start3A_79, %dma_start3A_80] : memref<10240x64xf32, #tpu.memory_space<vmem_shared>> -> memref<10240x64xf32, #tpu.memory_space<vmem_shared>>
        tpu.enqueue_indirect_dma source(%arg10 : memref<128x64xf32, #tpu.memory_space<vmem>>) target(%dma_start3A_81 : memref<10240x64xf32, #tpu.memory_space<vmem_shared>>) offsets(%arg8 : memref<128xi32, #tpu.memory_space<vmem>>) semaphore(%run_scoped3A : memref<!tpu.dma_semaphore, #tpu.memory_space<semaphore_mem>>) {add = true}
        %dma_wait3A_82 = arith.constant 0 : i32
        %dma_wait3A_83 = arith.constant 0 : i32
        %dma_wait3A_84 = tpu.memref_slice %arg12[%dma_wait3A_82, %dma_wait3A_83] : memref<10240x64xf32, #tpu.memory_space<vmem_shared>> -> memref<10240x64xf32, #tpu.memory_space<vmem_shared>>
        tpu.wait_indirect_dma semaphore(%run_scoped3A : memref<!tpu.dma_semaphore, #tpu.memory_space<semaphore_mem>>) src(%arg10 : memref<128x64xf32, #tpu.memory_space<vmem>>) dst(%dma_wait3A_84 : memref<10240x64xf32, #tpu.memory_space<vmem_shared>>)
        tpu.yield
      }) : () -> ()
      %add3A_63 = arith.constant 2 : i32
      %add3A_64 = arith.addi %mul3A_47, %add3A_63 : i32
      %scan3A_65 = arith.constant 0 : i32
      %scan3A_66 = arith.constant 0 : i32
      %scan3A_67 = arith.constant 8 : i32
      %scan3A_68 = arith.addi %scan3A_66, %scan3A_67 : i32
      %scan3A_69 = arith.constant 1 : i32
      %scan3A_70 = scf.for %scan3A_79 = %scan3A_66 to %scan3A_68 step %scan3A_69 iter_args(%scan3A_80 = %scan3A_65) -> (i32)  : i32 {
        %mul3A_81 = arith.constant 16 : i32
        %mul3A_82 = arith.muli %scan3A_79, %mul3A_81 : i32
        %get3A = arith.index_cast %add3A_64 : i32 to index
        %get3A_83 = arith.index_cast %mul3A_82 : i32 to index
        %get3A_84 = tpu.vector_load %arg5[%get3A, %get3A_83] {strides = array<i32>} : memref<159x128xi32, #tpu.memory_space<vmem>>, vector<1x16xi32>,
        %get3A_85 = vector.shape_cast %get3A_84 : vector<1x16xi32> to vector<16xi32>
        %and3A = arith.constant 16383 : i32
        %and3A_86 = vector.broadcast %and3A : i32 to vector<16xi32>
        %and3A_87 = arith.andi %get3A_85, %and3A_86 : vector<16xi32>
        %add3A_88 = arith.constant 0 : i32
        %add3A_89 = vector.broadcast %add3A_88 : i32 to vector<16xi32>
        %add3A_90 = arith.addi %and3A_87, %add3A_89 : vector<16xi32>
        %mul3A_91 = arith.constant 16 : i32
        %mul3A_92 = arith.muli %scan3A_79, %mul3A_91 : i32
        %swap3A = arith.index_cast %mul3A_92 : i32 to index
        %swap3A_93 = tpu.vector_load %arg6[%swap3A] {strides = array<i32>} : memref<128xi32, #tpu.memory_space<vmem>>, vector<16xi32>,
        %swap3A_94 = vector.shape_cast %swap3A_93 : vector<16xi32> to vector<16xi32>
        %swap3A_95 = vector.shape_cast %add3A_90 : vector<16xi32> to vector<16xi32>
        tpu.vector_store %arg6[%swap3A], %swap3A_95 {strides = array<i32>} : memref<128xi32, #tpu.memory_space<vmem>>, vector<16xi32>,
        %shift_right_arithmetic3A = arith.constant 14 : i32
        %shift_right_arithmetic3A_96 = vector.broadcast %shift_right_arithmetic3A : i32 to vector<16xi32>
        %shift_right_arithmetic3A_97 = arith.shrsi %get3A_85, %shift_right_arithmetic3A_96 : vector<16xi32>
        %mul3A_98 = arith.constant 16 : i32
        %mul3A_99 = arith.muli %scan3A_79, %mul3A_98 : i32
        %swap3A_100 = arith.index_cast %mul3A_99 : i32 to index
        %swap3A_101 = tpu.vector_load %arg8[%swap3A_100] {strides = array<i32>} : memref<128xi32, #tpu.memory_space<vmem>>, vector<16xi32>,
        %swap3A_102 = vector.shape_cast %swap3A_101 : vector<16xi32> to vector<16xi32>
        %swap3A_103 = vector.shape_cast %shift_right_arithmetic3A_97 : vector<16xi32> to vector<16xi32>
        tpu.vector_store %arg8[%swap3A_100], %swap3A_103 {strides = array<i32>} : memref<128xi32, #tpu.memory_space<vmem>>, vector<16xi32>,
        %scan3A_104 = arith.constant 0 : i32
        scf.yield %scan3A_104 : i32
      }
      %scan3A_71 = arith.constant 8 : i32
      %dma_start3A_72 = arith.constant 0 : i32
      %dma_start3A_73 = arith.constant 0 : i32
      %dma_start3A_74 = tpu.memref_slice %arg13[%dma_start3A_72, %dma_start3A_73] : memref<10240x64xf32, #tpu.memory_space<vmem_shared>> -> memref<10240x64xf32, #tpu.memory_space<vmem_shared>>
      tpu.enqueue_indirect_dma source(%dma_start3A_74 : memref<10240x64xf32, #tpu.memory_space<vmem_shared>>) target(%arg10 : memref<128x64xf32, #tpu.memory_space<vmem>>) offsets(%arg6 : memref<128xi32, #tpu.memory_space<vmem>>) semaphore(%arg14 : memref<!tpu.dma_semaphore, #tpu.memory_space<semaphore_mem>>)
      %dma_wait3A_75 = arith.constant 0 : i32
      %dma_wait3A_76 = arith.constant 0 : i32
      %dma_wait3A_77 = tpu.memref_slice %arg13[%dma_wait3A_75, %dma_wait3A_76] : memref<10240x64xf32, #tpu.memory_space<vmem_shared>> -> memref<10240x64xf32, #tpu.memory_space<vmem_shared>>
      tpu.wait_indirect_dma semaphore(%arg15 : memref<!tpu.dma_semaphore, #tpu.memory_space<semaphore_mem>>) src(%dma_wait3A_77 : memref<10240x64xf32, #tpu.memory_space<vmem_shared>>) dst(%arg11 : memref<128x64xf32, #tpu.memory_space<vmem>>)
      "tpu.region"() ({
        %run_scoped3A = tpu.sem_alloc : memref<!tpu.dma_semaphore, #tpu.memory_space<semaphore_mem>>
        %dma_start3A_79 = arith.constant 0 : i32
        %dma_start3A_80 = arith.constant 0 : i32
        %dma_start3A_81 = tpu.memref_slice %arg12[%dma_start3A_79, %dma_start3A_80] : memref<10240x64xf32, #tpu.memory_space<vmem_shared>> -> memref<10240x64xf32, #tpu.memory_space<vmem_shared>>
        tpu.enqueue_indirect_dma source(%arg11 : memref<128x64xf32, #tpu.memory_space<vmem>>) target(%dma_start3A_81 : memref<10240x64xf32, #tpu.memory_space<vmem_shared>>) offsets(%arg9 : memref<128xi32, #tpu.memory_space<vmem>>) semaphore(%run_scoped3A : memref<!tpu.dma_semaphore, #tpu.memory_space<semaphore_mem>>) {add = true}
        %dma_wait3A_82 = arith.constant 0 : i32
        %dma_wait3A_83 = arith.constant 0 : i32
        %dma_wait3A_84 = tpu.memref_slice %arg12[%dma_wait3A_82, %dma_wait3A_83] : memref<10240x64xf32, #tpu.memory_space<vmem_shared>> -> memref<10240x64xf32, #tpu.memory_space<vmem_shared>>
        tpu.wait_indirect_dma semaphore(%run_scoped3A : memref<!tpu.dma_semaphore, #tpu.memory_space<semaphore_mem>>) src(%arg11 : memref<128x64xf32, #tpu.memory_space<vmem>>) dst(%dma_wait3A_84 : memref<10240x64xf32, #tpu.memory_space<vmem_shared>>)
        tpu.yield
      }) : () -> ()
      %scan3A_78 = arith.constant 0 : i32
      scf.yield %scan3A_78 : i32
    }
    %scan3A_33 = arith.constant 79 : i32
    %dma_wait3A = arith.constant 0 : i32
    %dma_wait3A_34 = arith.constant 0 : i32
    %dma_wait3A_35 = tpu.memref_slice %arg13[%dma_wait3A, %dma_wait3A_34] : memref<10240x64xf32, #tpu.memory_space<vmem_shared>> -> memref<10240x64xf32, #tpu.memory_space<vmem_shared>>
    tpu.wait_indirect_dma semaphore(%arg14 : memref<!tpu.dma_semaphore, #tpu.memory_space<semaphore_mem>>) src(%dma_wait3A_35 : memref<10240x64xf32, #tpu.memory_space<vmem_shared>>) dst(%arg10 : memref<128x64xf32, #tpu.memory_space<vmem>>)
    %barrier3A_36 = arith.constant 0 : index
    tpu.barrier barrier_id(%barrier3A_36)
    %scan3A_37 = arith.constant 0 : i32
    %scan3A_38 = arith.constant 0 : i32
    %scan3A_39 = arith.constant 5 : i32
    %scan3A_40 = arith.addi %scan3A_38, %scan3A_39 : i32
    %scan3A_41 = arith.constant 1 : i32
    %scan3A_42 = scf.for %scan3A_44 = %scan3A_38 to %scan3A_40 step %scan3A_41 iter_args(%scan3A_45 = %scan3A_37) -> (i32)  : i32 {
      %mul3A_46 = arith.constant 640 : i32
      %mul3A_47 = arith.muli %arg1, %mul3A_46 : i32
      %mul3A_48 = arith.constant 128 : i32
      %mul3A_49 = arith.muli %scan3A_44, %mul3A_48 : i32
      %add3A_50 = arith.addi %mul3A_47, %mul3A_49 : i32
      %mul3A_51 = arith.constant 10240 : i32
      %mul3A_52 = arith.muli %arg0, %mul3A_51 : i32
      %add3A_53 = arith.addi %mul3A_52, %add3A_50 : i32
      "tpu.region"() ({
        %run_scoped3A = tpu.sem_alloc : memref<!tpu.dma_semaphore, #tpu.memory_space<semaphore_mem>>
        %dma_start3A_55 = arith.constant 0 : i32
        %dma_start3A_56 = tpu.memref_slice %arg4[%add3A_53, %dma_start3A_55] : memref<20480x64xf32, #tpu.memory_space<hbm>> -> memref<128x64xf32, #tpu.memory_space<hbm>>
        %dma_start3A_57 = arith.constant 0 : i32
        %dma_start3A_58 = tpu.memref_slice %arg12[%add3A_50, %dma_start3A_57] : memref<10240x64xf32, #tpu.memory_space<vmem_shared>> -> memref<128x64xf32, #tpu.memory_space<vmem_shared>>
        tpu.enqueue_dma source(%dma_start3A_58 : memref<128x64xf32, #tpu.memory_space<vmem_shared>>) target(%dma_start3A_56 : memref<128x64xf32, #tpu.memory_space<hbm>>) target_semaphore(%run_scoped3A : memref<!tpu.dma_semaphore, #tpu.memory_space<semaphore_mem>>)
        %dma_wait3A_59 = arith.constant 0 : i32
        %dma_wait3A_60 = tpu.memref_slice %arg4[%add3A_53, %dma_wait3A_59] : memref<20480x64xf32, #tpu.memory_space<hbm>> -> memref<128x64xf32, #tpu.memory_space<hbm>>
        %dma_wait3A_61 = arith.constant 0 : i32
        %dma_wait3A_62 = tpu.memref_slice %arg12[%add3A_50, %dma_wait3A_61] : memref<10240x64xf32, #tpu.memory_space<vmem_shared>> -> memref<128x64xf32, #tpu.memory_space<vmem_shared>>
        tpu.wait_dma2 semaphore(%run_scoped3A : memref<!tpu.dma_semaphore, #tpu.memory_space<semaphore_mem>>) src(%dma_wait3A_62 : memref<128x64xf32, #tpu.memory_space<vmem_shared>>) dst(%dma_wait3A_60 : memref<128x64xf32, #tpu.memory_space<hbm>>)
        tpu.yield
      }) : () -> ()
      %scan3A_54 = arith.constant 0 : i32
      scf.yield %scan3A_54 : i32
    }
    %scan3A_43 = arith.constant 5 : i32
    return
  }
}

module attributes {stable_mosaic.version = 14 : i64} {
  func.func @_fc1_body(%arg0: i32, %arg1: memref<1000x128xf32, #tpu.memory_space<vmem>>, %arg2: memref<128x128xf32, #tpu.memory_space<vmem>>, %arg3: memref<1x128xf32, #tpu.memory_space<vmem>>, %arg4: memref<2x1000x64xf32, #tpu.memory_space<vmem>>) attributes {dimension_semantics = [#tpu.dimension_semantics<arbitrary>], iteration_bounds = array<i64: 10>, scalar_prefetch = 0 : i64, scratch_operands = 0 : i64, tpu.core_type = #tpu.core_type<tc>, window_params = [{transform_indices = @transform_0, window_bounds = array<i64: 1000, 128>}, {pipeline_mode = #tpu.pipeline_mode<synchronous>, transform_indices = @transform_1, window_bounds = array<i64: 128, 128>}, {pipeline_mode = #tpu.pipeline_mode<synchronous>, transform_indices = @transform_2, window_bounds = array<i64: 1, 128>}, {transform_indices = @transform_3, window_bounds = array<i64: 2, 1000, 64>}]} {
    %get3A = arith.constant 0 : index
    %get3A_0 = arith.constant 0 : index
    %get3A_1 = vector.load %arg1[%get3A, %get3A_0] : memref<1000x128xf32, #tpu.memory_space<vmem>>, vector<1000x128xf32>
    %get3A_2 = arith.constant 0 : index
    %get3A_3 = arith.constant 0 : index
    %get3A_4 = vector.load %arg2[%get3A_2, %get3A_3] : memref<128x128xf32, #tpu.memory_space<vmem>>, vector<128x128xf32>
    %dot_general3A = arith.constant dense<0.000000e+00> : vector<1000x128xf32>
    %dot_general3A_5 = tpu.matmul %get3A_1, %get3A_4, %dot_general3A {dimension_numbers = #tpu.dot_dimension_numbers<[1], [0], [0], [1], [0, 0, 1, 1], [], []>, transpose_lhs_hint = false} : vector<1000x128xf32>, vector<128x128xf32>, vector<1000x128xf32> -> vector<1000x128xf32>
    %get3A_6 = arith.constant 0 : index
    %get3A_7 = arith.constant 0 : index
    %get3A_8 = vector.load %arg3[%get3A_6, %get3A_7] : memref<1x128xf32, #tpu.memory_space<vmem>>, vector<1x128xf32>
    %add3A = vector.broadcast %get3A_8 : vector<1x128xf32> to vector<1000x128xf32>
    %add3A_9 = arith.addf %dot_general3A_5, %add3A : vector<1000x128xf32>
    %ge3A = arith.constant 0.000000e+00 : f32
    %ge3A_10 = vector.broadcast %ge3A : f32 to vector<1000x128xf32>
    %ge3A_11 = arith.cmpf oge, %add3A_9, %ge3A_10 : vector<1000x128xf32>
    %mul3A = arith.constant 0.00999999977 : f32
    %mul3A_12 = vector.broadcast %mul3A : f32 to vector<1000x128xf32>
    %mul3A_13 = arith.mulf %mul3A_12, %add3A_9 : vector<1000x128xf32>
    %select_n3A = arith.select %ge3A_11, %add3A_9, %mul3A_13 : vector<1000x128xi1>, vector<1000x128xf32>
    %slice3A = vector.extract_strided_slice %select_n3A {offsets = [0, 0], sizes = [1000, 64], strides = [1, 1]} : vector<1000x128xf32> to vector<1000x64xf32>
    %swap3A = arith.constant 0 : index
    %swap3A_14 = arith.constant 0 : index
    %swap3A_15 = arith.constant 0 : index
    %swap3A_16 = vector.load %arg4[%swap3A, %swap3A_14, %swap3A_15] : memref<2x1000x64xf32, #tpu.memory_space<vmem>>, vector<1x1000x64xf32>
    %swap3A_17 = vector.shape_cast %swap3A_16 : vector<1x1000x64xf32> to vector<1000x64xf32>
    %swap3A_18 = vector.shape_cast %slice3A : vector<1000x64xf32> to vector<1x1000x64xf32>
    tpu.vector_store %arg4[%swap3A, %swap3A_14, %swap3A_15], %swap3A_18 {strides = array<i32>} : memref<2x1000x64xf32, #tpu.memory_space<vmem>>, vector<1x1000x64xf32>,
    %slice3A_19 = vector.extract_strided_slice %select_n3A {offsets = [0, 64], sizes = [1000, 64], strides = [1, 1]} : vector<1000x128xf32> to vector<1000x64xf32>
    %swap3A_20 = arith.constant 1 : index
    %swap3A_21 = arith.constant 0 : index
    %swap3A_22 = arith.constant 0 : index
    %swap3A_23 = vector.load %arg4[%swap3A_20, %swap3A_21, %swap3A_22] : memref<2x1000x64xf32, #tpu.memory_space<vmem>>, vector<1x1000x64xf32>
    %swap3A_24 = vector.shape_cast %swap3A_23 : vector<1x1000x64xf32> to vector<1000x64xf32>
    %swap3A_25 = vector.shape_cast %slice3A_19 : vector<1000x64xf32> to vector<1x1000x64xf32>
    tpu.vector_store %arg4[%swap3A_20, %swap3A_21, %swap3A_22], %swap3A_25 {strides = array<i32>} : memref<2x1000x64xf32, #tpu.memory_space<vmem>>, vector<1x1000x64xf32>,
    return
  }
  func.func @transform_0(%arg0: i32) -> (i32, i32) {
    %c0_i32 = arith.constant 0 : i32
    %c0_i32_0 = arith.constant 0 : i32
    return %arg0, %c0_i32 : i32, i32
  }
  func.func @transform_1(%arg0: i32) -> (i32, i32) {
    %c0_i32 = arith.constant 0 : i32
    %c0_i32_0 = arith.constant 0 : i32
    %c0_i32_1 = arith.constant 0 : i32
    return %c0_i32, %c0_i32_0 : i32, i32
  }
  func.func @transform_2(%arg0: i32) -> (i32, i32) {
    %c0_i32 = arith.constant 0 : i32
    %c0_i32_0 = arith.constant 0 : i32
    %c0_i32_1 = arith.constant 0 : i32
    return %c0_i32, %c0_i32_0 : i32, i32
  }
  func.func @transform_3(%arg0: i32) -> (i32, i32, i32) {
    %c0_i32 = arith.constant 0 : i32
    %c0_i32_0 = arith.constant 0 : i32
    %c0_i32_1 = arith.constant 0 : i32
    return %c0_i32, %arg0, %c0_i32_0 : i32, i32, i32
  }
}

module attributes {stable_mosaic.version = 14 : i64} {
  func.func @_conv_fc_body(%arg0: i32, %arg1: memref<2x1000x64xf32, #tpu.memory_space<vmem>>, %arg2: memref<2x1000x64xf32, #tpu.memory_space<vmem>>, %arg3: memref<128x128xf32, #tpu.memory_space<vmem>>, %arg4: memref<1x128xf32, #tpu.memory_space<vmem>>, %arg5: memref<128x128xf32, #tpu.memory_space<vmem>>, %arg6: memref<128x128xf32, #tpu.memory_space<vmem>>, %arg7: memref<1x128xf32, #tpu.memory_space<vmem>>, %arg8: memref<2x1000x64xf32, #tpu.memory_space<vmem>>) attributes {dimension_semantics = [#tpu.dimension_semantics<arbitrary>], iteration_bounds = array<i64: 10>, scalar_prefetch = 0 : i64, scratch_operands = 0 : i64, tpu.core_type = #tpu.core_type<tc>, window_params = [{transform_indices = @transform_0, window_bounds = array<i64: 2, 1000, 64>}, {transform_indices = @transform_1, window_bounds = array<i64: 2, 1000, 64>}, {pipeline_mode = #tpu.pipeline_mode<synchronous>, transform_indices = @transform_2, window_bounds = array<i64: 128, 128>}, {pipeline_mode = #tpu.pipeline_mode<synchronous>, transform_indices = @transform_3, window_bounds = array<i64: 1, 128>}, {pipeline_mode = #tpu.pipeline_mode<synchronous>, transform_indices = @transform_4, window_bounds = array<i64: 128, 128>}, {pipeline_mode = #tpu.pipeline_mode<synchronous>, transform_indices = @transform_5, window_bounds = array<i64: 128, 128>}, {pipeline_mode = #tpu.pipeline_mode<synchronous>, transform_indices = @transform_6, window_bounds = array<i64: 1, 128>}, {transform_indices = @transform_7, window_bounds = array<i64: 2, 1000, 64>}]} {
    %get3A = arith.constant 0 : index
    %get3A_0 = arith.constant 0 : index
    %get3A_1 = arith.constant 0 : index
    %get3A_2 = vector.load %arg1[%get3A, %get3A_0, %get3A_1] : memref<2x1000x64xf32, #tpu.memory_space<vmem>>, vector<1x1000x64xf32>
    %get3A_3 = vector.shape_cast %get3A_2 : vector<1x1000x64xf32> to vector<1000x64xf32>
    %get3A_4 = arith.constant 1 : index
    %get3A_5 = arith.constant 0 : index
    %get3A_6 = arith.constant 0 : index
    %get3A_7 = vector.load %arg1[%get3A_4, %get3A_5, %get3A_6] : memref<2x1000x64xf32, #tpu.memory_space<vmem>>, vector<1x1000x64xf32>
    %get3A_8 = vector.shape_cast %get3A_7 : vector<1x1000x64xf32> to vector<1000x64xf32>
    %concatenate3A = tpu.concatenate %get3A_3, %get3A_8 in 1 : vector<1000x64xf32>, vector<1000x64xf32> -> vector<1000x128xf32>
    %get3A_9 = arith.constant 0 : index
    %get3A_10 = arith.constant 0 : index
    %get3A_11 = arith.constant 0 : index
    %get3A_12 = vector.load %arg2[%get3A_9, %get3A_10, %get3A_11] : memref<2x1000x64xf32, #tpu.memory_space<vmem>>, vector<1x1000x64xf32>
    %get3A_13 = vector.shape_cast %get3A_12 : vector<1x1000x64xf32> to vector<1000x64xf32>
    %get3A_14 = arith.constant 1 : index
    %get3A_15 = arith.constant 0 : index
    %get3A_16 = arith.constant 0 : index
    %get3A_17 = vector.load %arg2[%get3A_14, %get3A_15, %get3A_16] : memref<2x1000x64xf32, #tpu.memory_space<vmem>>, vector<1x1000x64xf32>
    %get3A_18 = vector.shape_cast %get3A_17 : vector<1x1000x64xf32> to vector<1000x64xf32>
    %concatenate3A_19 = tpu.concatenate %get3A_13, %get3A_18 in 1 : vector<1000x64xf32>, vector<1000x64xf32> -> vector<1000x128xf32>
    %get3A_20 = arith.constant 0 : index
    %get3A_21 = arith.constant 0 : index
    %get3A_22 = vector.load %arg3[%get3A_20, %get3A_21] : memref<128x128xf32, #tpu.memory_space<vmem>>, vector<128x128xf32>
    %dot_general3A = arith.constant dense<0.000000e+00> : vector<1000x128xf32>
    %dot_general3A_23 = tpu.matmul %concatenate3A, %get3A_22, %dot_general3A {dimension_numbers = #tpu.dot_dimension_numbers<[1], [0], [0], [1], [0, 0, 1, 1], [], []>, transpose_lhs_hint = false} : vector<1000x128xf32>, vector<128x128xf32>, vector<1000x128xf32> -> vector<1000x128xf32>
    %get3A_24 = arith.constant 0 : index
    %get3A_25 = arith.constant 0 : index
    %get3A_26 = vector.load %arg5[%get3A_24, %get3A_25] : memref<128x128xf32, #tpu.memory_space<vmem>>, vector<128x128xf32>
    %dot_general3A_27 = arith.constant dense<0.000000e+00> : vector<1000x128xf32>
    %dot_general3A_28 = tpu.matmul %concatenate3A_19, %get3A_26, %dot_general3A_27 {dimension_numbers = #tpu.dot_dimension_numbers<[1], [0], [0], [1], [0, 0, 1, 1], [], []>, transpose_lhs_hint = false} : vector<1000x128xf32>, vector<128x128xf32>, vector<1000x128xf32> -> vector<1000x128xf32>
    %add3A = arith.addf %dot_general3A_23, %dot_general3A_28 : vector<1000x128xf32>
    %get3A_29 = arith.constant 0 : index
    %get3A_30 = arith.constant 0 : index
    %get3A_31 = vector.load %arg4[%get3A_29, %get3A_30] : memref<1x128xf32, #tpu.memory_space<vmem>>, vector<1x128xf32>
    %add3A_32 = vector.broadcast %get3A_31 : vector<1x128xf32> to vector<1000x128xf32>
    %add3A_33 = arith.addf %add3A, %add3A_32 : vector<1000x128xf32>
    %ge3A = arith.constant 0.000000e+00 : f32
    %ge3A_34 = vector.broadcast %ge3A : f32 to vector<1000x128xf32>
    %ge3A_35 = arith.cmpf oge, %add3A_33, %ge3A_34 : vector<1000x128xf32>
    %mul3A = arith.constant 0.00999999977 : f32
    %mul3A_36 = vector.broadcast %mul3A : f32 to vector<1000x128xf32>
    %mul3A_37 = arith.mulf %mul3A_36, %add3A_33 : vector<1000x128xf32>
    %select_n3A = arith.select %ge3A_35, %add3A_33, %mul3A_37 : vector<1000x128xi1>, vector<1000x128xf32>
    %get3A_38 = arith.constant 0 : index
    %get3A_39 = arith.constant 0 : index
    %get3A_40 = vector.load %arg6[%get3A_38, %get3A_39] : memref<128x128xf32, #tpu.memory_space<vmem>>, vector<128x128xf32>
    %dot_general3A_41 = arith.constant dense<0.000000e+00> : vector<1000x128xf32>
    %dot_general3A_42 = tpu.matmul %select_n3A, %get3A_40, %dot_general3A_41 {dimension_numbers = #tpu.dot_dimension_numbers<[1], [0], [0], [1], [0, 0, 1, 1], [], []>, transpose_lhs_hint = false} : vector<1000x128xf32>, vector<128x128xf32>, vector<1000x128xf32> -> vector<1000x128xf32>
    %get3A_43 = arith.constant 0 : index
    %get3A_44 = arith.constant 0 : index
    %get3A_45 = vector.load %arg7[%get3A_43, %get3A_44] : memref<1x128xf32, #tpu.memory_space<vmem>>, vector<1x128xf32>
    %add3A_46 = vector.broadcast %get3A_45 : vector<1x128xf32> to vector<1000x128xf32>
    %add3A_47 = arith.addf %dot_general3A_42, %add3A_46 : vector<1000x128xf32>
    %ge3A_48 = arith.constant 0.000000e+00 : f32
    %ge3A_49 = vector.broadcast %ge3A_48 : f32 to vector<1000x128xf32>
    %ge3A_50 = arith.cmpf oge, %add3A_47, %ge3A_49 : vector<1000x128xf32>
    %mul3A_51 = arith.constant 0.00999999977 : f32
    %mul3A_52 = vector.broadcast %mul3A_51 : f32 to vector<1000x128xf32>
    %mul3A_53 = arith.mulf %mul3A_52, %add3A_47 : vector<1000x128xf32>
    %select_n3A_54 = arith.select %ge3A_50, %add3A_47, %mul3A_53 : vector<1000x128xi1>, vector<1000x128xf32>
    %slice3A = vector.extract_strided_slice %select_n3A_54 {offsets = [0, 0], sizes = [1000, 64], strides = [1, 1]} : vector<1000x128xf32> to vector<1000x64xf32>
    %swap3A = arith.constant 0 : index
    %swap3A_55 = arith.constant 0 : index
    %swap3A_56 = arith.constant 0 : index
    %swap3A_57 = vector.load %arg8[%swap3A, %swap3A_55, %swap3A_56] : memref<2x1000x64xf32, #tpu.memory_space<vmem>>, vector<1x1000x64xf32>
    %swap3A_58 = vector.shape_cast %swap3A_57 : vector<1x1000x64xf32> to vector<1000x64xf32>
    %swap3A_59 = vector.shape_cast %slice3A : vector<1000x64xf32> to vector<1x1000x64xf32>
    tpu.vector_store %arg8[%swap3A, %swap3A_55, %swap3A_56], %swap3A_59 {strides = array<i32>} : memref<2x1000x64xf32, #tpu.memory_space<vmem>>, vector<1x1000x64xf32>,
    %slice3A_60 = vector.extract_strided_slice %select_n3A_54 {offsets = [0, 64], sizes = [1000, 64], strides = [1, 1]} : vector<1000x128xf32> to vector<1000x64xf32>
    %swap3A_61 = arith.constant 1 : index
    %swap3A_62 = arith.constant 0 : index
    %swap3A_63 = arith.constant 0 : index
    %swap3A_64 = vector.load %arg8[%swap3A_61, %swap3A_62, %swap3A_63] : memref<2x1000x64xf32, #tpu.memory_space<vmem>>, vector<1x1000x64xf32>
    %swap3A_65 = vector.shape_cast %swap3A_64 : vector<1x1000x64xf32> to vector<1000x64xf32>
    %swap3A_66 = vector.shape_cast %slice3A_60 : vector<1000x64xf32> to vector<1x1000x64xf32>
    tpu.vector_store %arg8[%swap3A_61, %swap3A_62, %swap3A_63], %swap3A_66 {strides = array<i32>} : memref<2x1000x64xf32, #tpu.memory_space<vmem>>, vector<1x1000x64xf32>,
    return
  }
  func.func @transform_0(%arg0: i32) -> (i32, i32, i32) {
    %c0_i32 = arith.constant 0 : i32
    %c0_i32_0 = arith.constant 0 : i32
    %c0_i32_1 = arith.constant 0 : i32
    return %c0_i32, %arg0, %c0_i32_0 : i32, i32, i32
  }
  func.func @transform_1(%arg0: i32) -> (i32, i32, i32) {
    %c0_i32 = arith.constant 0 : i32
    %c0_i32_0 = arith.constant 0 : i32
    %c0_i32_1 = arith.constant 0 : i32
    return %c0_i32, %arg0, %c0_i32_0 : i32, i32, i32
  }
  func.func @transform_2(%arg0: i32) -> (i32, i32) {
    %c0_i32 = arith.constant 0 : i32
    %c0_i32_0 = arith.constant 0 : i32
    %c0_i32_1 = arith.constant 0 : i32
    return %c0_i32, %c0_i32_0 : i32, i32
  }
  func.func @transform_3(%arg0: i32) -> (i32, i32) {
    %c0_i32 = arith.constant 0 : i32
    %c0_i32_0 = arith.constant 0 : i32
    %c0_i32_1 = arith.constant 0 : i32
    return %c0_i32, %c0_i32_0 : i32, i32
  }
  func.func @transform_4(%arg0: i32) -> (i32, i32) {
    %c0_i32 = arith.constant 0 : i32
    %c0_i32_0 = arith.constant 0 : i32
    %c0_i32_1 = arith.constant 0 : i32
    return %c0_i32, %c0_i32_0 : i32, i32
  }
  func.func @transform_5(%arg0: i32) -> (i32, i32) {
    %c0_i32 = arith.constant 0 : i32
    %c0_i32_0 = arith.constant 0 : i32
    %c0_i32_1 = arith.constant 0 : i32
    return %c0_i32, %c0_i32_0 : i32, i32
  }
  func.func @transform_6(%arg0: i32) -> (i32, i32) {
    %c0_i32 = arith.constant 0 : i32
    %c0_i32_0 = arith.constant 0 : i32
    %c0_i32_1 = arith.constant 0 : i32
    return %c0_i32, %c0_i32_0 : i32, i32
  }
  func.func @transform_7(%arg0: i32) -> (i32, i32, i32) {
    %c0_i32 = arith.constant 0 : i32
    %c0_i32_0 = arith.constant 0 : i32
    %c0_i32_1 = arith.constant 0 : i32
    return %c0_i32, %arg0, %c0_i32_0 : i32, i32, i32
  }
}

module attributes {stable_mosaic.version = 14 : i64} {
  func.func @_conv_pool_head_body(%arg0: i32, %arg1: memref<2x1000x64xf32, #tpu.memory_space<vmem>>, %arg2: memref<2x1000x64xf32, #tpu.memory_space<vmem>>, %arg3: memref<128x128xf32, #tpu.memory_space<vmem>>, %arg4: memref<1x128xf32, #tpu.memory_space<vmem>>, %arg5: memref<128x128xf32, #tpu.memory_space<vmem>>, %arg6: memref<1000x1xi32, #tpu.memory_space<vmem>>, %arg7: memref<128x128xf32, #tpu.memory_space<vmem>>, %arg8: memref<1x128xf32, #tpu.memory_space<vmem>>, %arg9: memref<128x64xf32, #tpu.memory_space<vmem>>, %arg10: memref<1x64xf32, #tpu.memory_space<vmem>>, %arg11: memref<64x10xf32, #tpu.memory_space<vmem>>, %arg12: memref<1x10xf32, #tpu.memory_space<vmem>>, %arg13: memref<32x10xf32, #tpu.memory_space<vmem>>, %arg14: memref<32x128xf32, #tpu.memory_space<vmem>>, %arg15: memref<32x128xf32, #tpu.memory_space<vmem>>) attributes {dimension_semantics = [#tpu.dimension_semantics<arbitrary>], iteration_bounds = array<i64: 10>, scalar_prefetch = 0 : i64, scratch_operands = 2 : i64, tpu.core_type = #tpu.core_type<tc>, window_params = [{transform_indices = @transform_0, window_bounds = array<i64: 2, 1000, 64>}, {transform_indices = @transform_1, window_bounds = array<i64: 2, 1000, 64>}, {pipeline_mode = #tpu.pipeline_mode<synchronous>, transform_indices = @transform_2, window_bounds = array<i64: 128, 128>}, {pipeline_mode = #tpu.pipeline_mode<synchronous>, transform_indices = @transform_3, window_bounds = array<i64: 1, 128>}, {pipeline_mode = #tpu.pipeline_mode<synchronous>, transform_indices = @transform_4, window_bounds = array<i64: 128, 128>}, {transform_indices = @transform_5, window_bounds = array<i64: 1000, 1>}, {pipeline_mode = #tpu.pipeline_mode<synchronous>, transform_indices = @transform_6, window_bounds = array<i64: 128, 128>}, {pipeline_mode = #tpu.pipeline_mode<synchronous>, transform_indices = @transform_7, window_bounds = array<i64: 1, 128>}, {pipeline_mode = #tpu.pipeline_mode<synchronous>, transform_indices = @transform_8, window_bounds = array<i64: 128, 64>}, {pipeline_mode = #tpu.pipeline_mode<synchronous>, transform_indices = @transform_9, window_bounds = array<i64: 1, 64>}, {pipeline_mode = #tpu.pipeline_mode<synchronous>, transform_indices = @transform_10, window_bounds = array<i64: 64, 10>}, {pipeline_mode = #tpu.pipeline_mode<synchronous>, transform_indices = @transform_11, window_bounds = array<i64: 1, 10>}, {pipeline_mode = #tpu.pipeline_mode<synchronous>, transform_indices = @transform_12, window_bounds = array<i64: 32, 10>}]} {
    %eq3A = arith.constant 0 : i32
    %eq3A_0 = arith.cmpi eq, %arg0, %eq3A : i32
    %convert_element_type3A = arith.extui %eq3A_0 : i1 to i32
    %cond3A = arith.constant 0 : i32
    %cond3A_1 = arith.cmpi ne, %convert_element_type3A, %cond3A : i32
    scf.if %cond3A_1 {
      %broadcast_in_dim3A_70 = arith.constant 0.000000e+00 : f32
      %broadcast_in_dim3A_71 = vector.broadcast %broadcast_in_dim3A_70 : f32 to vector<32x128xf32>
      %swap3A_72 = arith.constant 0 : index
      %swap3A_73 = arith.constant 0 : index
      %swap3A_74 = vector.load %arg14[%swap3A_72, %swap3A_73] : memref<32x128xf32, #tpu.memory_space<vmem>>, vector<32x128xf32>
      tpu.vector_store %arg14[%swap3A_72, %swap3A_73], %broadcast_in_dim3A_71 {strides = array<i32>} : memref<32x128xf32, #tpu.memory_space<vmem>>, vector<32x128xf32>,
      %broadcast_in_dim3A_75 = arith.constant 0.000000e+00 : f32
      %broadcast_in_dim3A_76 = vector.broadcast %broadcast_in_dim3A_75 : f32 to vector<32x128xf32>
      %swap3A_77 = arith.constant 0 : index
      %swap3A_78 = arith.constant 0 : index
      %swap3A_79 = vector.load %arg15[%swap3A_77, %swap3A_78] : memref<32x128xf32, #tpu.memory_space<vmem>>, vector<32x128xf32>
      tpu.vector_store %arg15[%swap3A_77, %swap3A_78], %broadcast_in_dim3A_76 {strides = array<i32>} : memref<32x128xf32, #tpu.memory_space<vmem>>, vector<32x128xf32>,
    } else {
    }
    %get3A = arith.constant 0 : index
    %get3A_2 = arith.constant 0 : index
    %get3A_3 = arith.constant 0 : index
    %get3A_4 = vector.load %arg1[%get3A, %get3A_2, %get3A_3] : memref<2x1000x64xf32, #tpu.memory_space<vmem>>, vector<1x1000x64xf32>
    %get3A_5 = vector.shape_cast %get3A_4 : vector<1x1000x64xf32> to vector<1000x64xf32>
    %get3A_6 = arith.constant 1 : index
    %get3A_7 = arith.constant 0 : index
    %get3A_8 = arith.constant 0 : index
    %get3A_9 = vector.load %arg1[%get3A_6, %get3A_7, %get3A_8] : memref<2x1000x64xf32, #tpu.memory_space<vmem>>, vector<1x1000x64xf32>
    %get3A_10 = vector.shape_cast %get3A_9 : vector<1x1000x64xf32> to vector<1000x64xf32>
    %concatenate3A = tpu.concatenate %get3A_5, %get3A_10 in 1 : vector<1000x64xf32>, vector<1000x64xf32> -> vector<1000x128xf32>
    %get3A_11 = arith.constant 0 : index
    %get3A_12 = arith.constant 0 : index
    %get3A_13 = arith.constant 0 : index
    %get3A_14 = vector.load %arg2[%get3A_11, %get3A_12, %get3A_13] : memref<2x1000x64xf32, #tpu.memory_space<vmem>>, vector<1x1000x64xf32>
    %get3A_15 = vector.shape_cast %get3A_14 : vector<1x1000x64xf32> to vector<1000x64xf32>
    %get3A_16 = arith.constant 1 : index
    %get3A_17 = arith.constant 0 : index
    %get3A_18 = arith.constant 0 : index
    %get3A_19 = vector.load %arg2[%get3A_16, %get3A_17, %get3A_18] : memref<2x1000x64xf32, #tpu.memory_space<vmem>>, vector<1x1000x64xf32>
    %get3A_20 = vector.shape_cast %get3A_19 : vector<1x1000x64xf32> to vector<1000x64xf32>
    %concatenate3A_21 = tpu.concatenate %get3A_15, %get3A_20 in 1 : vector<1000x64xf32>, vector<1000x64xf32> -> vector<1000x128xf32>
    %get3A_22 = arith.constant 0 : index
    %get3A_23 = arith.constant 0 : index
    %get3A_24 = vector.load %arg3[%get3A_22, %get3A_23] : memref<128x128xf32, #tpu.memory_space<vmem>>, vector<128x128xf32>
    %dot_general3A = arith.constant dense<0.000000e+00> : vector<1000x128xf32>
    %dot_general3A_25 = tpu.matmul %concatenate3A, %get3A_24, %dot_general3A {dimension_numbers = #tpu.dot_dimension_numbers<[1], [0], [0], [1], [0, 0, 1, 1], [], []>, transpose_lhs_hint = false} : vector<1000x128xf32>, vector<128x128xf32>, vector<1000x128xf32> -> vector<1000x128xf32>
    %get3A_26 = arith.constant 0 : index
    %get3A_27 = arith.constant 0 : index
    %get3A_28 = vector.load %arg5[%get3A_26, %get3A_27] : memref<128x128xf32, #tpu.memory_space<vmem>>, vector<128x128xf32>
    %dot_general3A_29 = arith.constant dense<0.000000e+00> : vector<1000x128xf32>
    %dot_general3A_30 = tpu.matmul %concatenate3A_21, %get3A_28, %dot_general3A_29 {dimension_numbers = #tpu.dot_dimension_numbers<[1], [0], [0], [1], [0, 0, 1, 1], [], []>, transpose_lhs_hint = false} : vector<1000x128xf32>, vector<128x128xf32>, vector<1000x128xf32> -> vector<1000x128xf32>
    %add3A = arith.addf %dot_general3A_25, %dot_general3A_30 : vector<1000x128xf32>
    %get3A_31 = arith.constant 0 : index
    %get3A_32 = arith.constant 0 : index
    %get3A_33 = vector.load %arg4[%get3A_31, %get3A_32] : memref<1x128xf32, #tpu.memory_space<vmem>>, vector<1x128xf32>
    %add3A_34 = vector.broadcast %get3A_33 : vector<1x128xf32> to vector<1000x128xf32>
    %add3A_35 = arith.addf %add3A, %add3A_34 : vector<1000x128xf32>
    %ge3A = arith.constant 0.000000e+00 : f32
    %ge3A_36 = vector.broadcast %ge3A : f32 to vector<1000x128xf32>
    %ge3A_37 = arith.cmpf oge, %add3A_35, %ge3A_36 : vector<1000x128xf32>
    %mul3A = arith.constant 0.00999999977 : f32
    %mul3A_38 = vector.broadcast %mul3A : f32 to vector<1000x128xf32>
    %mul3A_39 = arith.mulf %mul3A_38, %add3A_35 : vector<1000x128xf32>
    %select_n3A = arith.select %ge3A_37, %add3A_35, %mul3A_39 : vector<1000x128xi1>, vector<1000x128xf32>
    %get3A_40 = arith.constant 0 : index
    %get3A_41 = arith.constant 0 : index
    %get3A_42 = vector.load %arg6[%get3A_40, %get3A_41] : memref<1000x1xi32, #tpu.memory_space<vmem>>, vector<1000x1xi32>
    %iota3A = tpu.iota {dimensions = array<i32: 1>} : vector<1000x32xi32>
    %eq3A_43 = vector.broadcast %get3A_42 : vector<1000x1xi32> to vector<1000x32xi32>
    %eq3A_44 = arith.cmpi eq, %eq3A_43, %iota3A : vector<1000x32xi32>
    %convert_element_type3A_45 = arith.extui %eq3A_44 : vector<1000x32xi1> to vector<1000x32xi32>
    %convert_element_type3A_46 = arith.sitofp %convert_element_type3A_45 : vector<1000x32xi32> to vector<1000x32xf32>
    %get3A_47 = arith.constant 0 : index
    %get3A_48 = arith.constant 0 : index
    %get3A_49 = vector.load %arg14[%get3A_47, %get3A_48] : memref<32x128xf32, #tpu.memory_space<vmem>>, vector<32x128xf32>
    %dot_general3A_50 = arith.constant dense<0.000000e+00> : vector<32x128xf32>
    %dot_general3A_51 = tpu.matmul %convert_element_type3A_46, %select_n3A, %dot_general3A_50 {dimension_numbers = #tpu.dot_dimension_numbers<[0], [0], [1], [1], [0, 1, 1, 1], [], []>, transpose_lhs_hint = false} : vector<1000x32xf32>, vector<1000x128xf32>, vector<32x128xf32> -> vector<32x128xf32>
    %add3A_52 = arith.addf %get3A_49, %dot_general3A_51 : vector<32x128xf32>
    %swap3A = arith.constant 0 : index
    %swap3A_53 = arith.constant 0 : index
    %swap3A_54 = vector.load %arg14[%swap3A, %swap3A_53] : memref<32x128xf32, #tpu.memory_space<vmem>>, vector<32x128xf32>
    tpu.vector_store %arg14[%swap3A, %swap3A_53], %add3A_52 {strides = array<i32>} : memref<32x128xf32, #tpu.memory_space<vmem>>, vector<32x128xf32>,
    %reduce_sum3A = arith.constant dense<0.000000e+00> : vector<32xf32>
    %reduce_sum3A_55 = vector.multi_reduction <add>, %convert_element_type3A_46, %reduce_sum3A [0] : vector<1000x32xf32> to vector<32xf32>
    %get3A_56 = arith.constant 0 : index
    %get3A_57 = arith.constant 0 : index
    %get3A_58 = vector.load %arg15[%get3A_56, %get3A_57] : memref<32x128xf32, #tpu.memory_space<vmem>>, vector<32x128xf32>
    %broadcast_in_dim3A = vector.shape_cast %reduce_sum3A_55 : vector<32xf32> to vector<32x1xf32>
    %broadcast_in_dim3A_59 = vector.shape_cast %broadcast_in_dim3A : vector<32x1xf32> to vector<32x1xf32>
    %broadcast_in_dim3A_60 = vector.broadcast %broadcast_in_dim3A_59 : vector<32x1xf32> to vector<32x128xf32>
    %add3A_61 = arith.addf %get3A_58, %broadcast_in_dim3A_60 : vector<32x128xf32>
    %swap3A_62 = arith.constant 0 : index
    %swap3A_63 = arith.constant 0 : index
    %swap3A_64 = vector.load %arg15[%swap3A_62, %swap3A_63] : memref<32x128xf32, #tpu.memory_space<vmem>>, vector<32x128xf32>
    tpu.vector_store %arg15[%swap3A_62, %swap3A_63], %add3A_61 {strides = array<i32>} : memref<32x128xf32, #tpu.memory_space<vmem>>, vector<32x128xf32>,
    %eq3A_65 = arith.constant 9 : i32
    %eq3A_66 = arith.cmpi eq, %arg0, %eq3A_65 : i32
    %convert_element_type3A_67 = arith.extui %eq3A_66 : i1 to i32
    %cond3A_68 = arith.constant 0 : i32
    %cond3A_69 = arith.cmpi ne, %convert_element_type3A_67, %cond3A_68 : i32
    scf.if %cond3A_69 {
      %get3A_70 = arith.constant 0 : index
      %get3A_71 = arith.constant 0 : index
      %get3A_72 = vector.load %arg14[%get3A_70, %get3A_71] : memref<32x128xf32, #tpu.memory_space<vmem>>, vector<32x128xf32>
      %get3A_73 = arith.constant 0 : index
      %get3A_74 = arith.constant 0 : index
      %get3A_75 = vector.load %arg15[%get3A_73, %get3A_74] : memref<32x128xf32, #tpu.memory_space<vmem>>, vector<32x128xf32>
      %max3A = arith.constant 1.000000e+00 : f32
      %max3A_76 = vector.broadcast %max3A : f32 to vector<32x128xf32>
      %max3A_77 = arith.maximumf %get3A_75, %max3A_76 : vector<32x128xf32>
      %div3A = arith.divf %get3A_72, %max3A_77 : vector<32x128xf32>
      %get3A_78 = arith.constant 0 : index
      %get3A_79 = arith.constant 0 : index
      %get3A_80 = vector.load %arg7[%get3A_78, %get3A_79] : memref<128x128xf32, #tpu.memory_space<vmem>>, vector<128x128xf32>
      %dot_general3A_81 = arith.constant dense<0.000000e+00> : vector<32x128xf32>
      %dot_general3A_82 = tpu.matmul %div3A, %get3A_80, %dot_general3A_81 {dimension_numbers = #tpu.dot_dimension_numbers<[1], [0], [0], [1], [0, 0, 1, 1], [], []>, transpose_lhs_hint = false} : vector<32x128xf32>, vector<128x128xf32>, vector<32x128xf32> -> vector<32x128xf32>
      %get3A_83 = arith.constant 0 : index
      %get3A_84 = arith.constant 0 : index
      %get3A_85 = vector.load %arg8[%get3A_83, %get3A_84] : memref<1x128xf32, #tpu.memory_space<vmem>>, vector<1x128xf32>
      %add3A_86 = vector.broadcast %get3A_85 : vector<1x128xf32> to vector<32x128xf32>
      %add3A_87 = arith.addf %dot_general3A_82, %add3A_86 : vector<32x128xf32>
      %ge3A_88 = arith.constant 0.000000e+00 : f32
      %ge3A_89 = vector.broadcast %ge3A_88 : f32 to vector<32x128xf32>
      %ge3A_90 = arith.cmpf oge, %add3A_87, %ge3A_89 : vector<32x128xf32>
      %mul3A_91 = arith.constant 0.00999999977 : f32
      %mul3A_92 = vector.broadcast %mul3A_91 : f32 to vector<32x128xf32>
      %mul3A_93 = arith.mulf %mul3A_92, %add3A_87 : vector<32x128xf32>
      %select_n3A_94 = arith.select %ge3A_90, %add3A_87, %mul3A_93 : vector<32x128xi1>, vector<32x128xf32>
      %get3A_95 = arith.constant 0 : index
      %get3A_96 = arith.constant 0 : index
      %get3A_97 = vector.load %arg9[%get3A_95, %get3A_96] : memref<128x64xf32, #tpu.memory_space<vmem>>, vector<128x64xf32>
      %dot_general3A_98 = arith.constant dense<0.000000e+00> : vector<32x64xf32>
      %dot_general3A_99 = tpu.matmul %select_n3A_94, %get3A_97, %dot_general3A_98 {dimension_numbers = #tpu.dot_dimension_numbers<[1], [0], [0], [1], [0, 0, 1, 1], [], []>, transpose_lhs_hint = false} : vector<32x128xf32>, vector<128x64xf32>, vector<32x64xf32> -> vector<32x64xf32>
      %get3A_100 = arith.constant 0 : index
      %get3A_101 = arith.constant 0 : index
      %get3A_102 = vector.load %arg10[%get3A_100, %get3A_101] : memref<1x64xf32, #tpu.memory_space<vmem>>, vector<1x64xf32>
      %add3A_103 = vector.broadcast %get3A_102 : vector<1x64xf32> to vector<32x64xf32>
      %add3A_104 = arith.addf %dot_general3A_99, %add3A_103 : vector<32x64xf32>
      %ge3A_105 = arith.constant 0.000000e+00 : f32
      %ge3A_106 = vector.broadcast %ge3A_105 : f32 to vector<32x64xf32>
      %ge3A_107 = arith.cmpf oge, %add3A_104, %ge3A_106 : vector<32x64xf32>
      %mul3A_108 = arith.constant 0.00999999977 : f32
      %mul3A_109 = vector.broadcast %mul3A_108 : f32 to vector<32x64xf32>
      %mul3A_110 = arith.mulf %mul3A_109, %add3A_104 : vector<32x64xf32>
      %select_n3A_111 = arith.select %ge3A_107, %add3A_104, %mul3A_110 : vector<32x64xi1>, vector<32x64xf32>
      %get3A_112 = arith.constant 0 : index
      %get3A_113 = arith.constant 0 : index
      %get3A_114 = vector.load %arg11[%get3A_112, %get3A_113] : memref<64x10xf32, #tpu.memory_space<vmem>>, vector<64x10xf32>
      %dot_general3A_115 = arith.constant dense<0.000000e+00> : vector<32x10xf32>
      %dot_general3A_116 = tpu.matmul %select_n3A_111, %get3A_114, %dot_general3A_115 {dimension_numbers = #tpu.dot_dimension_numbers<[1], [0], [0], [1], [0, 0, 1, 1], [], []>, transpose_lhs_hint = false} : vector<32x64xf32>, vector<64x10xf32>, vector<32x10xf32> -> vector<32x10xf32>
      %get3A_117 = arith.constant 0 : index
      %get3A_118 = arith.constant 0 : index
      %get3A_119 = vector.load %arg12[%get3A_117, %get3A_118] : memref<1x10xf32, #tpu.memory_space<vmem>>, vector<1x10xf32>
      %add3A_120 = vector.broadcast %get3A_119 : vector<1x10xf32> to vector<32x10xf32>
      %add3A_121 = arith.addf %dot_general3A_116, %add3A_120 : vector<32x10xf32>
      %swap3A_122 = arith.constant 0 : index
      %swap3A_123 = arith.constant 0 : index
      %swap3A_124 = vector.load %arg13[%swap3A_122, %swap3A_123] : memref<32x10xf32, #tpu.memory_space<vmem>>, vector<32x10xf32>
      tpu.vector_store %arg13[%swap3A_122, %swap3A_123], %add3A_121 {strides = array<i32>} : memref<32x10xf32, #tpu.memory_space<vmem>>, vector<32x10xf32>,
    } else {
    }
    return
  }
  func.func @transform_0(%arg0: i32) -> (i32, i32, i32) {
    %c0_i32 = arith.constant 0 : i32
    %c0_i32_0 = arith.constant 0 : i32
    %c0_i32_1 = arith.constant 0 : i32
    return %c0_i32, %arg0, %c0_i32_0 : i32, i32, i32
  }
  func.func @transform_1(%arg0: i32) -> (i32, i32, i32) {
    %c0_i32 = arith.constant 0 : i32
    %c0_i32_0 = arith.constant 0 : i32
    %c0_i32_1 = arith.constant 0 : i32
    return %c0_i32, %arg0, %c0_i32_0 : i32, i32, i32
  }
  func.func @transform_2(%arg0: i32) -> (i32, i32) {
    %c0_i32 = arith.constant 0 : i32
    %c0_i32_0 = arith.constant 0 : i32
    %c0_i32_1 = arith.constant 0 : i32
    return %c0_i32, %c0_i32_0 : i32, i32
  }
  func.func @transform_3(%arg0: i32) -> (i32, i32) {
    %c0_i32 = arith.constant 0 : i32
    %c0_i32_0 = arith.constant 0 : i32
    %c0_i32_1 = arith.constant 0 : i32
    return %c0_i32, %c0_i32_0 : i32, i32
  }
  func.func @transform_4(%arg0: i32) -> (i32, i32) {
    %c0_i32 = arith.constant 0 : i32
    %c0_i32_0 = arith.constant 0 : i32
    %c0_i32_1 = arith.constant 0 : i32
    return %c0_i32, %c0_i32_0 : i32, i32
  }
  func.func @transform_5(%arg0: i32) -> (i32, i32) {
    %c0_i32 = arith.constant 0 : i32
    %c0_i32_0 = arith.constant 0 : i32
    return %arg0, %c0_i32 : i32, i32
  }
  func.func @transform_6(%arg0: i32) -> (i32, i32) {
    %c0_i32 = arith.constant 0 : i32
    %c0_i32_0 = arith.constant 0 : i32
    %c0_i32_1 = arith.constant 0 : i32
    return %c0_i32, %c0_i32_0 : i32, i32
  }
  func.func @transform_7(%arg0: i32) -> (i32, i32) {
    %c0_i32 = arith.constant 0 : i32
    %c0_i32_0 = arith.constant 0 : i32
    %c0_i32_1 = arith.constant 0 : i32
    return %c0_i32, %c0_i32_0 : i32, i32
  }
  func.func @transform_8(%arg0: i32) -> (i32, i32) {
    %c0_i32 = arith.constant 0 : i32
    %c0_i32_0 = arith.constant 0 : i32
    %c0_i32_1 = arith.constant 0 : i32
    return %c0_i32, %c0_i32_0 : i32, i32
  }
  func.func @transform_9(%arg0: i32) -> (i32, i32) {
    %c0_i32 = arith.constant 0 : i32
    %c0_i32_0 = arith.constant 0 : i32
    %c0_i32_1 = arith.constant 0 : i32
    return %c0_i32, %c0_i32_0 : i32, i32
  }
  func.func @transform_10(%arg0: i32) -> (i32, i32) {
    %c0_i32 = arith.constant 0 : i32
    %c0_i32_0 = arith.constant 0 : i32
    %c0_i32_1 = arith.constant 0 : i32
    return %c0_i32, %c0_i32_0 : i32, i32
  }
  func.func @transform_11(%arg0: i32) -> (i32, i32) {
    %c0_i32 = arith.constant 0 : i32
    %c0_i32_0 = arith.constant 0 : i32
    %c0_i32_1 = arith.constant 0 : i32
    return %c0_i32, %c0_i32_0 : i32, i32
  }
  func.func @transform_12(%arg0: i32) -> (i32, i32) {
    %c0_i32 = arith.constant 0 : i32
    %c0_i32_0 = arith.constant 0 : i32
    %c0_i32_1 = arith.constant 0 : i32
    return %c0_i32, %c0_i32_0 : i32, i32
  }
}

</mosaic_0001>

<sc_bundles>
// kernel: kernel.10.cloned.1.call-start
scs
__scs_entry_jumppad:
0x0: {  	(pc) =	sbr.rel $0x88, $3  }
0x1: {  	(tag) =	ssettag $0x0;
	lr =	simm.s32 $0x1  }
0x2: {  	[smem:$0x3F8E] =	sst lr;
	_ =	strace $0xD0000000  }
0x3: {  	_ = 	snop  }
0x4: {  	_ = 	snop  }
0x5: {  	_ = 	snop  }
0x6: {  	_ = 	snop  }
0x7: {  	_ = 	snop  }
__scs_overlays_trampoline_lowered:
0x8: {  	[smem:$0x3F9D] =	sst s0  }
0x9: {  	[smem:$0x3F9E] =	sst s1  }
0xa: {  	[smem:$0x3F9F] =	sst s2  }
0xb: {  	[smem:$0x3FA0] =	sst s3  }
0xc: {  	[smem:$0x3FA1] =	sst s4  }
0xd: {  	[smem:$0x3FA2] =	sst s5  }
0xe: {  	[smem:$0x3FA3] =	sst s6  }
0xf: {  	[smem:$0x3FA4] =	sst s7  }
0x10: {  	[smem:$0x3FA5] =	sst s8  }
0x11: {  	[smem:$0x3FA6] =	sst s9;
	s0 =	simm.s32 @!p0 $0x0  }
0x12: {  	s1 =	sld [smem:$0x3F8C];
	s0 =	simm.s32 @p0 $0x1  }
0x13: {  	[smem:$0x3FA7] =	sst s0;
	s0 =	simm.s32 @!p1 $0x0  }
0x14: {  	s2 =	sld [smem:$0x3F8B];
	s0 =	simm.s32 @p1 $0x1  }
0x15: {  	[smem:$0x3FA8] =	sst s0;
	s0 =	simm.s32 @!p2 $0x0  }
0x16: {  	s3 =	sld [smem:$0x3FDB];
	s0 =	simm.s32 @p2 $0x1  }
0x17: {  	s4 =	simm.s32 $0x1BF5;
	[smem:$0x3FAA] =	sst s0  }
0x18: {  	s0 =	sld [smem:$0x3F8D];
	_ =	swait.ge [sflag:s4], $0x0  }
0x19: {  	s7 =	sld [smem:$0x3F8E]  }
0x1a: {  	s8 =	sadd.s32 $0xFFFFE003, lr  }
0x1b: {  	s9 =	sadd.s32 $0xFFFFFEF7, lr;
	s5 =	simm.s32 $0xFFFFFFFF;
	p2 =	slt.u32 s8, $0xFFFFF086  }
0x1c: {  	p1 =	slt.u32 s9, $0xF7A;
	s5 =	simm.s32 @!p2 $0x0  }
0x1d: {  	s5 =	simm.s32 @p1 $0x1;
	p0 =	seq.s32 s7, s2  }
0x1e: {  	s7 =	smul.u32 @!p0 $0xF7A, s2;
	p2 =	seq.s32 @!p0 s5, $0x0  }
0x1f: {  	s9 =	smul.u32 $0xF7A, s1;
	s8 =	simm.s32 @!p0 $0x1BF5;
	p2 =	por !p2, p0  }
0x20: {  	[sflag:s8] =	ssyncset.s32 @!p0 $0xFFFFF086;
	s6 =	sadd.s32 @!p0 s3, s7;
	s7 =	simm.s32 @!p0 $0x108  }
0x21: {  	s3 =	sadd.s32 s3, s9;
	s6 =	sadd.s32 @!p0 $0x88, s6;
	s7 =	simm.s32 @p2 $0x1082  }
0x22: {  	[simem:s7], [sflag:s8] =	dma.local @!p0 [hbm:s6], $0xF7A  }
0x23: {  	s9 =	sor.u32 $0xD0000000, s2;
	s6 =	simm.s32 $0x108;
	_ =	swait.ge @!p0 [sflag:s8], $0x0  }
0x24: {  	s3 =	sadd.s32 $0x88, s3;
	s6 =	simm.s32 @!p1 $0x1082;
	[sflag:s4] =	ssyncset.s32 $0xFFFFF086  }
0x25: {  	[simem:s6], [sflag:s4] =	dma.local [hbm:s3], $0xF7A  }
0x26: {  	[smem:$0x3F8E] =	sst s1;
	(tag) =	ssettag s2;
	_ =	strace s9  }
0x27: {  	s1 =	sld [smem:$0x3F9E]  }
0x28: {  	s2 =	sld [smem:$0x3F9F]  }
0x29: {  	s4 =	sld [smem:$0x3FA1]  }
0x2a: {  	p0 =	seq.s32 s5, $0x0;
	s5 =	sld [smem:$0x3FA2]  }
0x2b: {  	s6 =	sld [smem:$0x3FA3]  }
0x2c: {  	s7 =	sld [smem:$0x3FA4]  }
0x2d: {  	s3 =	simm.s32 $0x108;
	s8 =	sld [smem:$0x3FA5]  }
0x2e: {  	s3 =	simm.s32 @!p0 $0x1082;
	s9 =	sld [smem:$0x3FA6]  }
0x2f: {  	lr =	sadd.s32 s0, s3;
	s0 =	sld [smem:$0x3F9D]  }
0x30: {  	s3 =	sld [smem:$0x3FA0]  }
0x31: {  	[smem:$0x3FA9] =	sst s10  }
0x32: {  	s10 =	sld [smem:$0x3FA7];
	_ =	sdelay $0x3  }
0x33: {  	p0 =	seq.s32 s10, $0x1;
	s10 =	sld [smem:$0x3FA9];
	_ =	sdelay $0x3  }
0x34: {  	[smem:$0x3FA9] =	sst s10  }
0x35: {  	s10 =	sld [smem:$0x3FA8];
	_ =	sdelay $0x3  }
0x36: {  	p1 =	seq.s32 s10, $0x1;
	s10 =	sld [smem:$0x3FA9];
	_ =	sdelay $0x3  }
0x37: {  	[smem:$0x3FA9] =	sst s10  }
0x38: {  	s10 =	sld [smem:$0x3FAA]  }
0x39: {  	_ = 	snop;
	(pc) =	sbr.ind lr, $3  }
0x3a: {  	_ = 	snop  }
0x3b: {  	_ = 	snop  }
0x3c: {  	p2 =	seq.s32 s10, $0x1;
	s10 =	sld [smem:$0x3FA9]  }
0x3d: {  	_ =	shalt  }
0x3e: {  	_ =	shalt  }
0x3f: {  	_ =	shalt  }
0x40: {  	_ =	shalt  }
0x41: {  	_ =	shalt  }
0x42: {  	_ =	shalt  }
0x43: {  	_ =	shalt  }
0x44: {  	_ =	shalt  }
0x45: {  	_ =	shalt  }
0x46: {  	_ =	shalt  }
0x47: {  	_ =	shalt  }
0x48: {  	_ =	shalt  }
0x49: {  	_ =	shalt  }
0x4a: {  	_ =	shalt  }
0x4b: {  	_ =	shalt  }
0x4c: {  	_ =	shalt  }
0x4d: {  	_ =	shalt  }
0x4e: {  	_ =	shalt  }
0x4f: {  	_ =	shalt  }
0x50: {  	_ =	shalt  }
0x51: {  	_ =	shalt  }
0x52: {  	_ =	shalt  }
0x53: {  	_ =	shalt  }
0x54: {  	_ =	shalt  }
0x55: {  	_ =	shalt  }
0x56: {  	_ =	shalt  }
0x57: {  	_ =	shalt  }
0x58: {  	_ =	shalt  }
0x59: {  	_ =	shalt  }
0x5a: {  	_ =	shalt  }
0x5b: {  	_ =	shalt  }
0x5c: {  	_ =	shalt  }
0x5d: {  	_ =	shalt  }
0x5e: {  	_ =	shalt  }
0x5f: {  	_ =	shalt  }
0x60: {  	_ =	shalt  }
0x61: {  	_ =	shalt  }
0x62: {  	_ =	shalt  }
0x63: {  	_ =	shalt  }
0x64: {  	_ =	shalt  }
0x65: {  	_ =	shalt  }
0x66: {  	_ =	shalt  }
0x67: {  	_ =	shalt  }
0x68: {  	_ =	shalt  }
0x69: {  	_ =	shalt  }
0x6a: {  	_ =	shalt  }
0x6b: {  	_ =	shalt  }
0x6c: {  	_ =	shalt  }
0x6d: {  	_ =	shalt  }
0x6e: {  	_ =	shalt  }
0x6f: {  	_ =	shalt  }
0x70: {  	_ =	shalt  }
0x71: {  	_ =	shalt  }
0x72: {  	_ =	shalt  }
0x73: {  	_ =	shalt  }
0x74: {  	_ =	shalt  }
0x75: {  	_ =	shalt  }
0x76: {  	_ =	shalt  }
0x77: {  	_ =	shalt  }
0x78: {  	_ =	shalt  }
0x79: {  	_ =	shalt  }
0x7a: {  	_ =	shalt  }
0x7b: {  	_ =	shalt  }
0x7c: {  	_ =	shalt  }
0x7d: {  	_ =	shalt  }
0x7e: {  	_ =	shalt  }
0x7f: {  	_ =	shalt  }
0x80: {  	_ =	shalt  }
0x81: {  	_ =	shalt  }
0x82: {  	_ =	shalt  }
0x83: {  	_ =	shalt  }
0x84: {  	_ =	shalt  }
0x85: {  	_ =	shalt  }
0x86: {  	_ =	shalt  }
0x87: {  	_ =	shalt  }
.Lfunc_end0:
.L_simem_size_0:
called_computation.1_lowered:
.L_overlay_start_0:
0x88: {  	s2 =	sld [smem:$0x3FD9]  }
0x89: {  	s3 =	sld [smem:$0x3FFE];
	_ =	sdelay $0x1  }
0x8a: {  	s1 =	srdreg.scid  }
0x8b: {  	s0 =	sand.u32 $0x1, s1  }
0x8c: {  	s16 =	sshll.u32 s0, $0xA;
	s2 =	sadd.s32 s3, s2  }
0x8d: {  	s2 =	sadd.s32 s2, s16  }
0x8e: {  	[smem:$0x3FB5] =	sst s2  }
0x8f: {  	_ = 	snop  }
0x90: {  	(tm) =	ssettm $0x1  }
0x91: {  	s17 =	sld [smem:$0x3FFB];
	_ =	sdelay $0x3  }
0x92: {  	_ =	strace s17  }
0x93: {  	s2 =	sld [smem:$0x3FFC];
	_ =	sdelay $0x3  }
0x94: {  	_ =	strace s2  }
0x95: {  	s2 =	sld [smem:$0x3FFD];
	_ =	sdelay $0x3  }
0x96: {  	_ =	strace s2  }
0x97: {  	_ =	strace $0x8FFFFFFF  }
0x98: {  	s18 =	sld [smem:$0x3FDB];
	_ =	sdelay $0x1  }
0x99: {  	s19 =	simm.s32 $_scs_section_size  }
0x9a: {  	s4 =	simm.s32 $_size__tile_overlayer_lowered;
	s5 =	simm.s32 $_tile_overlayer_lowered  }
0x9b: {  	s22 =	simm.s32 $0x1BFF;
	s21 =	sshll.u32 s5, $0x1;
	s2 =	sadd.s32 s19, s18  }
0x9c: {  	s6 =	simm.s32 $0x0;
	s20 =	sshll.u32 s4, $0x1;
	s4 =	sadd.s32 s21, s2  }
0x9d: {  	[timem:s6], [sflag:s22] =	dma.local [hbm:s4], s20  }
0x9e: {  	_ =	swait.ge [sflag:s22], s20  }
0x9f: {  	s3 =	ssub.s32 $0x0, s20;
	[sflag:s22] =	ssyncset.done $0x0  }
0xa0: {  	[sflag:s22] =	ssyncadd.s32 s3;
	_ =	sdelay $0x1  }
0xa1: {  	s23 =	simm.s32 $0x1B8B  }
0xa2: {  	_ =	swait.ge [sflag:s23], $0x1  }
0xa3: {  	[sflag:s23] =	ssyncset.done $0x0  }
0xa4: {  	s25 =	simm.s32 $0x1B8E;
	s24 =	sld [smem:$0x3FFE];
	[sflag:s23] =	ssyncadd.s32 $0xFFFFFFFF  }
0xa5: {  	s26 =	simm.s32 $execute0_lowered;
	[smem:$0x3FD2] =	sst s25  }
0xa6: {  	s4 =	sshll.u32 s26, $0x1;
	_ =	strace $0x80000049;
	[dreg:$0x1] =	wrdreg $0xFFFFFFFF  }
0xa7: {  	s28 =	simm.s32 $_size_execute0_lowered;
	s2 =	sadd.s32 s2, s4;
	[dreg:$0x0] =	wrdreg $0x0  }
0xa8: {  	s4 =	sshll.u32 s28, $0x1;
	[dreg:$0x2] =	wrdreg s2  }
0xa9: {  	[dreg:$0x3] =	wrdreg s4  }
0xaa: {  	[dreg:$0x4] =	wrdreg $0xC0  }
0xab: {  	_ =	task [dreg:s6], $0x5FFFF  }
0xac: {  	[dreg:$0x1] =	wrdreg $0xFFFFFFFF  }
0xad: {  	[dreg:$0x0] =	wrdreg $0x60  }
0xae: {  	[dreg:$0x2] =	wrdreg s24  }
0xaf: {  	[dreg:$0x3] =	wrdreg $0x131800  }
0xb0: {  	[dreg:$0x4] =	wrdreg $0x91800  }
0xb1: {  	[dreg:$0x5] =	wrdreg $0x9  }
0xb2: {  	_ =	task.clear_ibuf [dreg:s6], $0x6FFFF;
	_ =	strace $0x90000049  }
0xb3: {  	s29 =	simm.s32 $0x9;
	_ =	strace $0x8000004B  }
0xb4: {  	_ =	swait.ge [sflag:s29], $0x1  }
0xb5: {  	[sflag:s29] =	ssyncadd.s32 $0xFFFFFFFF  }
0xb6: {  	_ =	strace $0x9000004B  }
0xb7: {  	_ =	sfence  }
0xb8: {  	s30 =	sld [smem:$0x0];
	_ =	sdelay $0x2  }
0xb9: {  	s31 =	sshll.u32 s1, $0xD;
	s1 =	sshrl.u32 s1, $0x2  }
0xba: {  	s3 =	sand.u32 $0x4000, s31;
	s1 =	sadd.s32 s1, s30  }
0xbb: {  	s0 =	sor.u32 s3, s0;
	s1 =	sshll.u32 s1, $0x11  }
0xbc: {  	s0 =	sor.u32 s1, s0  }
0xbd: {  	s0 =	sadd.s32 $0x8F2B, s0  }
0xbe: {  	[sflag:s0] =	ssyncadd.remote.s32 $0x1  }
0xbf: {  	_ =	sfence.sel $0xFFFF  }
0xc0: {  	[dreg:$0x0] =	wrdreg $0xFFFFFFFF;
	(pc) =	sbr.abs _section_cstart, $3  }
0xc1: {  	[dreg:$0x1] =	wrdreg $0xFFFFFFFF  }
0xc2: {  	_ =	task.clear_ibuf [dreg:s6], $0x2FFFF;
	_ =	strace $0x9FFFFFFF  }
0xc3: {  	(tm) =	ssettm $0x7FFFFFFF  }
tec
execute0_lowered:
.L_overlay_start_1:
0x0: {  	(tag) =	ssettag $0x1  }
0x1: {  	s0 =	rddreg [dreg:$0x0]  }
0x2: {  	s1 =	srdreg.scid;
	s2 =	rddreg [dreg:$0x1]  }
0x3: {  	s10 =	stileid.u32;
	s3 =	rddreg [dreg:$0x2];
	s4 =	simm.s32 $0x0  }
0x4: {  	s28 =	simm.s32 $0x5000;
	s29 =	simm.s32 $0x7180;
	s6 =	smul.u32 $0x280, s10  }
0x5: {  	s30 =	simm.s32 $0x1;
	s31 =	simm.s32 $0x5080;
	s8 =	smul.u32 $0x9F0, s10  }
0x6: {  	s1 =	sand.u32 $0x1, s1;
	[smem:$0x7FF] =	sst s4;
	s25 =	smul.u32 $0x28000, s10  }
0x7: {  	s5 =	smul.u32 $0x2800, s1;
	_ =	strace $0x8000004A;
	s1 =	ssub.s32 $0x2, s1  }
0x8: {  	s8 =	sadd.s32 s8, s0;
	s11 =	sshrl.u32 s1, $0x1;
	s18 =	sadd.s32 $0x80, s6  }
0x9: {  	s21 =	sadd.s32 $0x100, s6;
	s7 =	sadd.s32 s6, s5;
	s1 =	ssub.s32 s1, s11  }
0xa: {  	s8 =	sadd.s32 $0x7AE00, s8;
	s20 =	sadd.s32 s5, s18;
	s22 =	sadd.s32 s5, s21  }
0xb: {  	s23 =	sshll.u32 s21, $0x6;
	s21 =	simm.s32 $0x80;
	s9 =	sshll.u32 s7, $0x3  }
0xc: {  	s7 =	sshrl.u32 s25, $0x2;
	[dreg:$0x4] =	wrdreg s8;
	s1 =	smax.u32 s1, $0x1  }
0xd: {  	s26 =	sadd.s32 s9, s0;
	s0 =	sadd.s32 $0x84E00, s0;
	s11 =	sadd.s32 s7, s2  }
0xe: {  	s7 =	sadd.s32 s7, s3;
	[dreg:$0x7] =	wrdreg s1;
	s10 =	sadd.s32 $0x52E00, s26  }
0xf: {  	s1 =	sshll.u32 s18, $0x6;
	s9 =	sadd.s32 s0, s9;
	[dreg:$0x5] =	wrdreg s10  }
0x10: {  	s18 =	simm.s32 $0x3;
	s17 =	sadd.s32 $0x2000, s7;
	[dreg:$0x6] =	wrdreg s9  }
0x11: {  	s19 =	sadd.s32 $0x4000, s7;
	s12 =	sadd.s32 $0x6000, s7;
	[dreg:$0x8] =	wrdreg s17  }
0x12: {  	s13 =	sadd.s32 $0x8000, s7;
	s1 =	sadd.s32 s1, s3;
	[dreg:$0x9] =	wrdreg s19  }
0x13: {  	s9 =	sshll.u32 s20, $0x3;
	s17 =	sadd.s32 $0x180, s6;
	s6 =	sadd.s32 $0x200, s6  }
0x14: {  	s19 =	sshrl.u32 s11, $0x3;
	s20 =	simm.s32 $0x5180;
	s14 =	sadd.s32 s0, s9  }
0x15: {  	s9 =	sshll.u32 s22, $0x3;
	s24 =	sadd.s32 s5, s17;
	s25 =	sshll.u32 s17, $0x6  }
0x16: {  	s5 =	sadd.s32 s5, s6;
	s6 =	sshll.u32 s6, $0x6;
	s22 =	sshrl.u32 s1, $0x3  }
0x17: {  	s1 =	simm.s32 $0x2;
	s15 =	sadd.s32 s0, s9;
	s9 =	sadd.s32 s23, s3  }
0x18: {  	s10 =	sshll.u32 s24, $0x3;
	s5 =	sshll.u32 s5, $0x3;
	s26 =	sadd.s32 s6, s3  }
0x19: {  	s16 =	sadd.s32 s0, s10;
	s10 =	sadd.s32 s25, s3;
	s17 =	sadd.s32 s0, s5  }
0x1a: {  	s23 =	sshrl.u32 s9, $0x3;
	s25 =	sshrl.u32 s26, $0x3;
	s26 =	simm.s32 $0x4F80  }
0x1b: {  	v0 =	vimm.f32 $0.0e+00;
	s0 =	simm.s32 $0x5100;
	s5 =	simm.s32 $0x0;
	s24 =	sshrl.u32 s10, $0x3  }
.LBB2_1:
0x1c: {  	s6 =	rddreg [dreg:$0x4]  }
0x1d: {  	[tilespmem:s4], [sflag:$0x3] =	stream.linear.gather [hbm4b:s6+s4], $0x4F80, $0x38;
	[tilespmem:$0x1D180] =	vst v63  }
0x1e: {  	s10 =	stileid.u32;
	_ =	swait.ge [sflag:s18], $0x4F80  }
0x1f: {  	s11 =	sand.u32 $0x7F00, s4;
	s6 =	sshll.u32 s10, $0x6;
	[sflag:s18] =	ssyncset.done $0x0  }
0x20: {  	s6 =	sor.u32 $0x1C03, s6;
	s8 =	rddreg [dreg:$0x5];
	[sflag:s18] =	ssyncadd.s32 $0xFFFFB080  }
0x21: {  	[spmem:s19], [sflag:s6] =	dma.local [hbm:s8], $0x1400  }
0x22: {  	s9 =	sand.u32 $0x30, s4;
	s10 =	sshrl.u32 s11, $0x2;
	_ =	swait.ge [sflag:s18], $0x1400  }
0x23: {  	s10 =	sor.u32 s9, s10;
	[sflag:s18] =	ssyncset.done $0x0  }
0x24: {  	s9 =	simm.s32 $0x0;
	s8 =	simm.s32 $0x40;
	[sflag:s18] =	ssyncadd.s32 $0xFFFFEC00  }
.LBB2_2:
0x25: {  	p0 =	sne.s32 s8, $0x7FC0  }
0x26: {  	[tilespmem:s10+$0x5180] =	vst v0;
	s9 =	sadd.s32 $0x10, s9;
	s10 =	smov.u32 s8;
	s8 =	sadd.s32 $0x40, s8  }
.Ltmp0:
0x27: {  	(pc) =	sbr.rel @p0 .LBB2_2-.Ltmp0, $4  }
0x28: {  	_ = 	snop  }
0x29: {  	s10 =	sand.u32 $0x7F00, s10  }
0x2a: {  	s11 =	sand.u32 $0x30, s9;
	s10 =	sshrl.u32 s10, $0x2  }
0x2b: {  	s10 =	sor.u32 s11, s10  }
0x2c: {  	[tilespmem:s10+$0x5180] =	vst v0  }
0x2d: {  	[spmem:s7] =	stream.linear.scatter [tilespmem:s20], [sflag:$0x3], $0x2000, $0x38;
	[tilespmem:$0x1D180] =	vst v63  }
0x2e: {  	_ =	swait.ge [sflag:s18], $0x2000  }
0x2f: {  	[sflag:s18] =	ssyncset.done $0x0  }
0x30: {  	s8 =	rddreg [dreg:$0x8];
	[sflag:s18] =	ssyncadd.s32 $0xFFFFE000  }
0x31: {  	[spmem:s8] =	stream.linear.scatter [tilespmem:s20], [sflag:$0x3], $0x2000, $0x38;
	[tilespmem:$0x1D180] =	vst v63  }
0x32: {  	_ =	swait.ge [sflag:s18], $0x2000  }
0x33: {  	[sflag:s18] =	ssyncset.done $0x0  }
0x34: {  	s11 =	rddreg [dreg:$0x9];
	[sflag:s18] =	ssyncadd.s32 $0xFFFFE000  }
0x35: {  	[spmem:s11] =	stream.linear.scatter [tilespmem:s20], [sflag:$0x3], $0x2000, $0x38;
	[tilespmem:$0x1D180] =	vst v63  }
0x36: {  	_ =	swait.ge [sflag:s18], $0x2000  }
0x37: {  	[sflag:s18] =	ssyncset.done $0x0  }
0x38: {  	[sflag:s18] =	ssyncadd.s32 $0xFFFFE000  }
0x39: {  	[spmem:s12] =	stream.linear.scatter [tilespmem:s20], [sflag:$0x3], $0x2000, $0x38;
	[tilespmem:$0x1D180] =	vst v63  }
0x3a: {  	_ =	swait.ge [sflag:s18], $0x2000  }
0x3b: {  	[sflag:s18] =	ssyncset.done $0x0  }
0x3c: {  	[sflag:s18] =	ssyncadd.s32 $0xFFFFE000  }
0x3d: {  	[spmem:s13] =	stream.linear.scatter [tilespmem:s20], [sflag:$0x3], $0x2000, $0x38;
	[tilespmem:$0x1D180] =	vst v63  }
0x3e: {  	_ =	swait.ge [sflag:s18], $0x2000  }
0x3f: {  	[sflag:s18] =	ssyncset.done $0x0  }
0x40: {  	[sflag:s18] =	ssyncadd.s32 $0xFFFFE000  }
0x41: {  	[bflag:$0x0] =	sbarrier.arrive $0xFFFF  }
0x42: {  	v1 =	vld [tilespmem:$0x0];
	_ =	sdelay $0x1  }
0x43: {  	v2 =	vld [tilespmem:$0x10];
	_ =	sdelay $0x1  }
0x44: {  	v3 =	vld [tilespmem:$0x20]  }
0x45: {  	v4 =	vand.u32 $0x3FFF, v1  }
0x46: {  	v62 =	vld [tilespmem:$0x30];
	v1 =	vshra.s32 v1, $0xE;
	[tilespmem:$0x4F80] =	vst v4  }
0x47: {  	[tilespmem:$0x5080] =	vst v1;
	v1 =	vand.u32 $0x3FFF, v2  }
0x48: {  	[tilespmem:$0x4F90] =	vst v1;
	v1 =	vshra.s32 v2, $0xE;
	v2 =	vld [tilespmem:$0x40]  }
0x49: {  	[tilespmem:$0x5090] =	vst v1;
	v1 =	vand.u32 $0x3FFF, v3  }
0x4a: {  	[tilespmem:$0x4FA0] =	vst v1;
	v1 =	vshra.s32 v3, $0xE;
	v3 =	vld [tilespmem:$0x50]  }
0x4b: {  	[tilespmem:$0x50A0] =	vst v1;
	v1 =	vand.u32 $0x3FFF, v62  }
0x4c: {  	v63 =	vld [tilespmem:$0x60];
	[tilespmem:$0x4FB0] =	vst v1;
	v1 =	vshra.s32 v62, $0xE  }
0x4d: {  	[tilespmem:$0x50B0] =	vst v1;
	v1 =	vand.u32 $0x3FFF, v2  }
0x4e: {  	[tilespmem:$0x4FC0] =	vst v1;
	v1 =	vshra.s32 v2, $0xE;
	v2 =	vld [tilespmem:$0x70]  }
0x4f: {  	[tilespmem:$0x50C0] =	vst v1;
	v1 =	vand.u32 $0x3FFF, v3  }
0x50: {  	[tilespmem:$0x4FD0] =	vst v1;
	v1 =	vshra.s32 v3, $0xE  }
0x51: {  	[tilespmem:$0x50D0] =	vst v1;
	v1 =	vand.u32 $0x3FFF, v63  }
0x52: {  	[tilespmem:$0x4FE0] =	vst v1;
	v1 =	vshra.s32 v63, $0xE  }
0x53: {  	[tilespmem:$0x50E0] =	vst v1;
	v1 =	vand.u32 $0x3FFF, v2  }
0x54: {  	[tilespmem:$0x4FF0] =	vst v1;
	v1 =	vshra.s32 v2, $0xE  }
0x55: {  	s8 =	simm.s32 $0x0;
	[tilespmem:$0x50F0] =	vst v1  }
0x56: {  	[tilespmem:s20], [sflag:$0x1] =	stream.indirect.gather [spmem:s2], $0x40, s26, s21, $0xb8;
	[tilespmem:$0x1D180] =	vst v63  }
0x57: {  	v1 =	vld [tilespmem:s8+$0x80];
	_ =	sdelay $0x4  }
0x58: {  	v2 =	vand.u32 $0x3FFF, v1  }
0x59: {  	v1 =	vshra.s32 v1, $0xE;
	[tilespmem:$0x5000] =	vst v2  }
0x5a: {  	[tilespmem:$0x5100] =	vst v1  }
0x5b: {  	v1 =	vld [tilespmem:s8+$0x90];
	_ =	sdelay $0x4  }
0x5c: {  	v2 =	vand.u32 $0x3FFF, v1  }
0x5d: {  	v1 =	vshra.s32 v1, $0xE;
	[tilespmem:$0x5010] =	vst v2  }
0x5e: {  	[tilespmem:$0x5110] =	vst v1  }
0x5f: {  	v1 =	vld [tilespmem:s8+$0xA0];
	_ =	sdelay $0x4  }
0x60: {  	v2 =	vand.u32 $0x3FFF, v1  }
0x61: {  	v1 =	vshra.s32 v1, $0xE;
	[tilespmem:$0x5020] =	vst v2  }
0x62: {  	[tilespmem:$0x5120] =	vst v1  }
0x63: {  	v1 =	vld [tilespmem:s8+$0xB0];
	_ =	sdelay $0x4  }
0x64: {  	v2 =	vand.u32 $0x3FFF, v1  }
0x65: {  	v1 =	vshra.s32 v1, $0xE;
	[tilespmem:$0x5030] =	vst v2  }
0x66: {  	[tilespmem:$0x5130] =	vst v1  }
0x67: {  	v1 =	vld [tilespmem:s8+$0xC0];
	_ =	sdelay $0x4  }
0x68: {  	v2 =	vand.u32 $0x3FFF, v1  }
0x69: {  	v1 =	vshra.s32 v1, $0xE;
	[tilespmem:$0x5040] =	vst v2  }
0x6a: {  	[tilespmem:$0x5140] =	vst v1  }
0x6b: {  	v1 =	vld [tilespmem:s8+$0xD0];
	_ =	sdelay $0x4  }
0x6c: {  	v2 =	vand.u32 $0x3FFF, v1  }
0x6d: {  	v1 =	vshra.s32 v1, $0xE;
	[tilespmem:$0x5050] =	vst v2  }
0x6e: {  	[tilespmem:$0x5150] =	vst v1  }
0x6f: {  	v1 =	vld [tilespmem:s8+$0xE0];
	_ =	sdelay $0x4  }
0x70: {  	v2 =	vand.u32 $0x3FFF, v1  }
0x71: {  	v1 =	vshra.s32 v1, $0xE;
	[tilespmem:$0x5060] =	vst v2  }
0x72: {  	[tilespmem:$0x5160] =	vst v1  }
0x73: {  	v1 =	vld [tilespmem:s8+$0xF0];
	_ =	sdelay $0x4  }
0x74: {  	v2 =	vand.u32 $0x3FFF, v1  }
0x75: {  	v1 =	vshra.s32 v1, $0xE;
	[tilespmem:$0x5070] =	vst v2  }
0x76: {  	[tilespmem:$0x5170] =	vst v1  }
0x77: {  	[tilespmem:s29], [sflag:$0x2] =	stream.indirect.gather [spmem:s2], $0x40, s28, s21, $0xb8;
	[tilespmem:$0x1D180] =	vst v63  }
0x78: {  	_ =	swait.ge [sflag:s30], $0x2000  }
0x79: {  	[sflag:s30] =	ssyncset.done $0x0  }
0x7a: {  	[sflag:s30] =	ssyncadd.s32 $0xFFFFE000  }
0x7b: {  	[spmem:s3] =	stream.indirect.scatter.add.f32 [tilespmem:s20], [sflag:$0x3], $0x40, s31, s21, $0xb8;
	[tilespmem:$0x1D180] =	vst v63  }
0x7c: {  	_ =	swait.ge [sflag:s18], $0x2000  }
0x7d: {  	[sflag:s18] =	ssyncset.done $0x0  }
0x7e: {  	[sflag:s18] =	ssyncadd.s32 $0xFFFFE000  }
0x7f: {  	v1 =	vld [tilespmem:s8+$0x100];
	_ =	sdelay $0x4  }
0x80: {  	v2 =	vand.u32 $0x3FFF, v1  }
0x81: {  	v1 =	vshra.s32 v1, $0xE;
	[tilespmem:$0x4F80] =	vst v2  }
0x82: {  	[tilespmem:$0x5080] =	vst v1  }
0x83: {  	v1 =	vld [tilespmem:s8+$0x110];
	_ =	sdelay $0x4  }
0x84: {  	v2 =	vand.u32 $0x3FFF, v1  }
0x85: {  	v1 =	vshra.s32 v1, $0xE;
	[tilespmem:$0x4F90] =	vst v2  }
0x86: {  	[tilespmem:$0x5090] =	vst v1  }
0x87: {  	v1 =	vld [tilespmem:s8+$0x120];
	_ =	sdelay $0x4  }
0x88: {  	v2 =	vand.u32 $0x3FFF, v1  }
0x89: {  	v1 =	vshra.s32 v1, $0xE;
	[tilespmem:$0x4FA0] =	vst v2  }
0x8a: {  	[tilespmem:$0x50A0] =	vst v1  }
0x8b: {  	v1 =	vld [tilespmem:s8+$0x130];
	_ =	sdelay $0x4  }
0x8c: {  	v2 =	vand.u32 $0x3FFF, v1  }
0x8d: {  	v1 =	vshra.s32 v1, $0xE;
	[tilespmem:$0x4FB0] =	vst v2  }
0x8e: {  	[tilespmem:$0x50B0] =	vst v1  }
0x8f: {  	v1 =	vld [tilespmem:s8+$0x140];
	_ =	sdelay $0x4  }
0x90: {  	v2 =	vand.u32 $0x3FFF, v1  }
0x91: {  	v1 =	vshra.s32 v1, $0xE;
	[tilespmem:$0x4FC0] =	vst v2  }
0x92: {  	[tilespmem:$0x50C0] =	vst v1  }
0x93: {  	v1 =	vld [tilespmem:s8+$0x150];
	_ =	sdelay $0x4  }
0x94: {  	v2 =	vand.u32 $0x3FFF, v1  }
0x95: {  	v1 =	vshra.s32 v1, $0xE;
	[tilespmem:$0x4FD0] =	vst v2  }
0x96: {  	[tilespmem:$0x50D0] =	vst v1  }
0x97: {  	v1 =	vld [tilespmem:s8+$0x160];
	_ =	sdelay $0x4  }
0x98: {  	v2 =	vand.u32 $0x3FFF, v1  }
0x99: {  	s9 =	simm.s32 $0x400;
	v1 =	vshra.s32 v1, $0xE;
	[tilespmem:$0x4FE0] =	vst v2  }
.LBB2_4:
0x9a: {  	p0 =	sne.s32 s9, $0x13800;
	[tilespmem:$0x50E0] =	vst v1;
	s10 =	smov.u32 s9;
	s9 =	sadd.s32 $0x400, s9  }
0x9b: {  	v1 =	vld [tilespmem:s8+$0x170];
	_ =	sdelay $0x4  }
0x9c: {  	v2 =	vand.u32 $0x3FFF, v1;
	v1 =	vshra.s32 v1, $0xE  }
0x9d: {  	[tilespmem:$0x4FF0] =	vst v2  }
0x9e: {  	[tilespmem:$0x50F0] =	vst v1  }
0x9f: {  	[tilespmem:s20], [sflag:$0x1] =	stream.indirect.gather [spmem:s2], $0x40, s26, s21, $0xb8;
	[tilespmem:$0x1D180] =	vst v63  }
0xa0: {  	_ =	swait.ge [sflag:s1], $0x2000  }
0xa1: {  	[sflag:s1] =	ssyncset.done $0x0  }
0xa2: {  	[sflag:s1] =	ssyncadd.s32 $0xFFFFE000  }
0xa3: {  	[spmem:s3] =	stream.indirect.scatter.add.f32 [tilespmem:s29], [sflag:$0x3], $0x40, s0, s21, $0xb8;
	[tilespmem:$0x1D180] =	vst v63  }
0xa4: {  	_ =	swait.ge [sflag:s18], $0x2000  }
0xa5: {  	[sflag:s18] =	ssyncset.done $0x0  }
0xa6: {  	s8 =	sshra.s32 s10, $0x2;
	[sflag:s18] =	ssyncadd.s32 $0xFFFFE000  }
0xa7: {  	v1 =	vld [tilespmem:s8+$0x80];
	_ =	sdelay $0x4  }
0xa8: {  	v2 =	vand.u32 $0x3FFF, v1;
	v1 =	vshra.s32 v1, $0xE  }
0xa9: {  	[tilespmem:$0x5000] =	vst v2  }
0xaa: {  	[tilespmem:$0x5100] =	vst v1  }
0xab: {  	v1 =	vld [tilespmem:s8+$0x90];
	_ =	sdelay $0x4  }
0xac: {  	v2 =	vand.u32 $0x3FFF, v1;
	v1 =	vshra.s32 v1, $0xE  }
0xad: {  	[tilespmem:$0x5010] =	vst v2  }
0xae: {  	[tilespmem:$0x5110] =	vst v1  }
0xaf: {  	v1 =	vld [tilespmem:s8+$0xA0];
	_ =	sdelay $0x4  }
0xb0: {  	v2 =	vand.u32 $0x3FFF, v1;
	v1 =	vshra.s32 v1, $0xE  }
0xb1: {  	[tilespmem:$0x5020] =	vst v2  }
0xb2: {  	[tilespmem:$0x5120] =	vst v1  }
0xb3: {  	v1 =	vld [tilespmem:s8+$0xB0];
	_ =	sdelay $0x4  }
0xb4: {  	v2 =	vand.u32 $0x3FFF, v1;
	v1 =	vshra.s32 v1, $0xE  }
0xb5: {  	[tilespmem:$0x5030] =	vst v2  }
0xb6: {  	[tilespmem:$0x5130] =	vst v1  }
0xb7: {  	v1 =	vld [tilespmem:s8+$0xC0];
	_ =	sdelay $0x4  }
0xb8: {  	v2 =	vand.u32 $0x3FFF, v1;
	v1 =	vshra.s32 v1, $0xE  }
0xb9: {  	[tilespmem:$0x5040] =	vst v2  }
0xba: {  	[tilespmem:$0x5140] =	vst v1  }
0xbb: {  	v1 =	vld [tilespmem:s8+$0xD0];
	_ =	sdelay $0x4  }
0xbc: {  	v2 =	vand.u32 $0x3FFF, v1;
	v1 =	vshra.s32 v1, $0xE  }
0xbd: {  	[tilespmem:$0x5050] =	vst v2  }
0xbe: {  	[tilespmem:$0x5150] =	vst v1  }
0xbf: {  	v1 =	vld [tilespmem:s8+$0xE0];
	_ =	sdelay $0x4  }
0xc0: {  	v2 =	vand.u32 $0x3FFF, v1;
	v1 =	vshra.s32 v1, $0xE  }
0xc1: {  	[tilespmem:$0x5060] =	vst v2  }
0xc2: {  	[tilespmem:$0x5160] =	vst v1  }
0xc3: {  	v1 =	vld [tilespmem:s8+$0xF0];
	_ =	sdelay $0x4  }
0xc4: {  	v2 =	vand.u32 $0x3FFF, v1;
	v1 =	vshra.s32 v1, $0xE  }
0xc5: {  	[tilespmem:$0x5070] =	vst v2  }
0xc6: {  	[tilespmem:$0x5170] =	vst v1  }
0xc7: {  	[tilespmem:s29], [sflag:$0x2] =	stream.indirect.gather [spmem:s2], $0x40, s28, s21, $0xb8;
	[tilespmem:$0x1D180] =	vst v63  }
0xc8: {  	_ =	swait.ge [sflag:s30], $0x2000  }
0xc9: {  	[sflag:s30] =	ssyncset.done $0x0  }
0xca: {  	[sflag:s30] =	ssyncadd.s32 $0xFFFFE000  }
0xcb: {  	[spmem:s3] =	stream.indirect.scatter.add.f32 [tilespmem:s20], [sflag:$0x3], $0x40, s31, s21, $0xb8;
	[tilespmem:$0x1D180] =	vst v63  }
0xcc: {  	_ =	swait.ge [sflag:s18], $0x2000  }
0xcd: {  	[sflag:s18] =	ssyncset.done $0x0  }
0xce: {  	[sflag:s18] =	ssyncadd.s32 $0xFFFFE000  }
0xcf: {  	v1 =	vld [tilespmem:s8+$0x100];
	_ =	sdelay $0x4  }
0xd0: {  	v2 =	vand.u32 $0x3FFF, v1;
	v1 =	vshra.s32 v1, $0xE  }
0xd1: {  	[tilespmem:$0x4F80] =	vst v2  }
0xd2: {  	[tilespmem:$0x5080] =	vst v1  }
0xd3: {  	v1 =	vld [tilespmem:s8+$0x110];
	_ =	sdelay $0x4  }
0xd4: {  	v2 =	vand.u32 $0x3FFF, v1;
	v1 =	vshra.s32 v1, $0xE  }
0xd5: {  	[tilespmem:$0x4F90] =	vst v2  }
0xd6: {  	[tilespmem:$0x5090] =	vst v1  }
0xd7: {  	v1 =	vld [tilespmem:s8+$0x120];
	_ =	sdelay $0x4  }
0xd8: {  	v2 =	vand.u32 $0x3FFF, v1;
	v1 =	vshra.s32 v1, $0xE  }
0xd9: {  	[tilespmem:$0x4FA0] =	vst v2  }
0xda: {  	[tilespmem:$0x50A0] =	vst v1  }
0xdb: {  	v1 =	vld [tilespmem:s8+$0x130];
	_ =	sdelay $0x4  }
0xdc: {  	v2 =	vand.u32 $0x3FFF, v1;
	v1 =	vshra.s32 v1, $0xE  }
0xdd: {  	[tilespmem:$0x4FB0] =	vst v2  }
0xde: {  	[tilespmem:$0x50B0] =	vst v1  }
0xdf: {  	v1 =	vld [tilespmem:s8+$0x140];
	_ =	sdelay $0x4  }
0xe0: {  	v2 =	vand.u32 $0x3FFF, v1;
	v1 =	vshra.s32 v1, $0xE  }
0xe1: {  	[tilespmem:$0x4FC0] =	vst v2  }
0xe2: {  	[tilespmem:$0x50C0] =	vst v1  }
0xe3: {  	v1 =	vld [tilespmem:s8+$0x150];
	_ =	sdelay $0x4  }
0xe4: {  	v2 =	vand.u32 $0x3FFF, v1;
	v1 =	vshra.s32 v1, $0xE  }
0xe5: {  	[tilespmem:$0x4FD0] =	vst v2  }
0xe6: {  	[tilespmem:$0x50D0] =	vst v1  }
0xe7: {  	v1 =	vld [tilespmem:s8+$0x160];
	_ =	sdelay $0x1  }
.Ltmp1:
0xe8: {  	(pc) =	sbr.rel @p0 .LBB2_4-.Ltmp1, $3  }
0xe9: {  	_ =	sdelay $0x1  }
0xea: {  	v2 =	vand.u32 $0x3FFF, v1;
	v1 =	vshra.s32 v1, $0xE  }
0xeb: {  	[tilespmem:$0x4FE0] =	vst v2  }
0xec: {  	[tilespmem:$0x50E0] =	vst v1  }
0xed: {  	v1 =	vld [tilespmem:s8+$0x170];
	_ =	sdelay $0x4  }
0xee: {  	v2 =	vand.u32 $0x3FFF, v1  }
0xef: {  	v1 =	vshra.s32 v1, $0xE;
	[tilespmem:$0x4FF0] =	vst v2  }
0xf0: {  	[tilespmem:$0x50F0] =	vst v1  }
0xf1: {  	[tilespmem:s20], [sflag:$0x1] =	stream.indirect.gather [spmem:s2], $0x40, s26, s21, $0xb8;
	[tilespmem:$0x1D180] =	vst v63  }
0xf2: {  	_ =	swait.ge [sflag:s1], $0x2000  }
0xf3: {  	[sflag:s1] =	ssyncset.done $0x0  }
0xf4: {  	[sflag:s1] =	ssyncadd.s32 $0xFFFFE000  }
0xf5: {  	[spmem:s3] =	stream.indirect.scatter.add.f32 [tilespmem:s29], [sflag:$0x3], $0x40, s0, s21, $0xb8;
	[tilespmem:$0x1D180] =	vst v63  }
0xf6: {  	_ =	swait.ge [sflag:s18], $0x2000  }
0xf7: {  	[sflag:s18] =	ssyncset.done $0x0  }
0xf8: {  	[sflag:s18] =	ssyncadd.s32 $0xFFFFE000  }
0xf9: {  	_ =	swait.ge [sflag:s30], $0x2000  }
0xfa: {  	[sflag:s30] =	ssyncset.done $0x0  }
0xfb: {  	[sflag:s30] =	ssyncadd.s32 $0xFFFFE000  }
0xfc: {  	[bflag:$0x0] =	sbarrier.arrive $0xFFFF  }
0xfd: {  	s10 =	sshrl.u32 s7, $0x3;
	s9 =	rddreg [dreg:$0x6]  }
0xfe: {  	[hbm:s9], [sflag:s6] =	dma.local [spmem:s10], $0x400  }
0xff: {  	_ =	swait.ge [sflag:s18], $0x400  }
0x100: {  	[sflag:s18] =	ssyncset.done $0x0  }
0x101: {  	[sflag:s18] =	ssyncadd.s32 $0xFFFFFC00  }
0x102: {  	[hbm:s14], [sflag:s6] =	dma.local [spmem:s22], $0x400  }
0x103: {  	_ =	swait.ge [sflag:s18], $0x400  }
0x104: {  	[sflag:s18] =	ssyncset.done $0x0  }
0x105: {  	[sflag:s18] =	ssyncadd.s32 $0xFFFFFC00  }
0x106: {  	[hbm:s15], [sflag:s6] =	dma.local [spmem:s23], $0x400  }
0x107: {  	_ =	swait.ge [sflag:s18], $0x400  }
0x108: {  	[sflag:s18] =	ssyncset.done $0x0  }
0x109: {  	[sflag:s18] =	ssyncadd.s32 $0xFFFFFC00  }
0x10a: {  	[hbm:s16], [sflag:s6] =	dma.local [spmem:s24], $0x400  }
0x10b: {  	_ =	swait.ge [sflag:s18], $0x400  }
0x10c: {  	[sflag:s18] =	ssyncset.done $0x0  }
0x10d: {  	[sflag:s18] =	ssyncadd.s32 $0xFFFFFC00  }
0x10e: {  	[hbm:s17], [sflag:s6] =	dma.local [spmem:s25], $0x400  }
0x10f: {  	_ =	swait.ge [sflag:s18], $0x400  }
0x110: {  	s5 =	sadd.s32 $0x1, s5;
	s11 =	rddreg [dreg:$0x7]  }
0x111: {  	p0 =	sne.s32 s5, s11  }
.Ltmp2:
0x112: {  	_ = 	snop;
	(pc) =	sbr.rel @p0 .LBB2_1-.Ltmp2, $3  }
0x113: {  	_ =	sdelay $0x1  }
0x114: {  	[sflag:s18] =	ssyncset.done $0x0  }
0x115: {  	[sflag:s18] =	ssyncadd.s32 $0xFFFFFC00  }
0x116: {  	_ =	sfence.sel $0x180000  }
0x117: {  	[bflag:$0x0] =	sbarrier.arrive $0xFFFF  }
0x118: {  	_ =	strace $0x9000004A  }
0x119: {  	s0 =	stileid.u32;
	[bflag:$0x2] =	sbarrier.arrive $0xFFFF  }
0x11a: {  	p0 =	sne.s32 s0, $0x0;
	s0 =	rddreg [dreg:$0x3]  }
0x11b: {  	s0 =	sadd.s32 @!p0 $0x100000, s0  }
0x11c: {  	[sflag:s0] =	ssyncadd.tile.s32 @!p0 $0x1;
	_ =	shalt  }
.Lfunc_end2:
_tile_overlayer_lowered:
.L_overlay_start_2:
0x11d: {  	(tag) =	ssettag $0x2  }
0x11e: {  	s0 =	rddreg [dreg:$0x0];
	s2 =	stileid.u32  }
0x11f: {  	s1 =	rddreg [dreg:$0x1];
	p0 =	sne.s32 s2, $0x0  }
0x120: {  	s3 =	rddreg [dreg:$0x2];
	[bflag:$0x3] =	sbarrier.arrive $0xFFFF;
	s2 =	simm.s32 @!p0 $0x1C03  }
0x121: {  	[timem:s3], [sflag:s2] =	dma.local @!p0 [hbm:s0], s1  }
0x122: {  	s0 =	simm.s32 @!p0 $0x3  }
0x123: {  	_ =	swait.ge @!p0 [sflag:s0], s1  }
0x124: {  	s1 =	ssub.s32 @!p0 $0x0, s1;
	[sflag:s0] =	ssyncset.done @!p0 $0x0  }
0x125: {  	[sflag:s0] =	ssyncadd.s32 @!p0 s1  }
0x126: {  	[bflag:$0x3] =	sbarrier.arrive $0xFFFF  }
0x127: {  	_ =	shalt  }

// kernel: kernel.7.cloned.1.call-start
scs
__scs_entry_jumppad:
0x0: {  	(pc) =	sbr.rel $0x88, $3  }
0x1: {  	(tag) =	ssettag $0x0;
	lr =	simm.s32 $0x1  }
0x2: {  	[smem:$0x3F8E] =	sst lr;
	_ =	strace $0xD0000000  }
0x3: {  	_ = 	snop  }
0x4: {  	_ = 	snop  }
0x5: {  	_ = 	snop  }
0x6: {  	_ = 	snop  }
0x7: {  	_ = 	snop  }
__scs_overlays_trampoline_lowered:
0x8: {  	[smem:$0x3F9D] =	sst s0  }
0x9: {  	[smem:$0x3F9E] =	sst s1  }
0xa: {  	[smem:$0x3F9F] =	sst s2  }
0xb: {  	[smem:$0x3FA0] =	sst s3  }
0xc: {  	[smem:$0x3FA1] =	sst s4  }
0xd: {  	[smem:$0x3FA2] =	sst s5  }
0xe: {  	[smem:$0x3FA3] =	sst s6  }
0xf: {  	[smem:$0x3FA4] =	sst s7  }
0x10: {  	[smem:$0x3FA5] =	sst s8  }
0x11: {  	[smem:$0x3FA6] =	sst s9;
	s0 =	simm.s32 @!p0 $0x0  }
0x12: {  	s1 =	sld [smem:$0x3F8C];
	s0 =	simm.s32 @p0 $0x1  }
0x13: {  	[smem:$0x3FA7] =	sst s0;
	s0 =	simm.s32 @!p1 $0x0  }
0x14: {  	s2 =	sld [smem:$0x3F8B];
	s0 =	simm.s32 @p1 $0x1  }
0x15: {  	[smem:$0x3FA8] =	sst s0;
	s0 =	simm.s32 @!p2 $0x0  }
0x16: {  	s3 =	sld [smem:$0x3FDB];
	s0 =	simm.s32 @p2 $0x1  }
0x17: {  	s4 =	simm.s32 $0x1BF5;
	[smem:$0x3FAA] =	sst s0  }
0x18: {  	s0 =	sld [smem:$0x3F8D];
	_ =	swait.ge [sflag:s4], $0x0  }
0x19: {  	s7 =	sld [smem:$0x3F8E]  }
0x1a: {  	s8 =	sadd.s32 $0xFFFFE003, lr  }
0x1b: {  	s9 =	sadd.s32 $0xFFFFFEF7, lr;
	s5 =	simm.s32 $0xFFFFFFFF;
	p2 =	slt.u32 s8, $0xFFFFF086  }
0x1c: {  	p1 =	slt.u32 s9, $0xF7A;
	s5 =	simm.s32 @!p2 $0x0  }
0x1d: {  	s5 =	simm.s32 @p1 $0x1;
	p0 =	seq.s32 s7, s2  }
0x1e: {  	s7 =	smul.u32 @!p0 $0xF7A, s2;
	p2 =	seq.s32 @!p0 s5, $0x0  }
0x1f: {  	s9 =	smul.u32 $0xF7A, s1;
	s8 =	simm.s32 @!p0 $0x1BF5;
	p2 =	por !p2, p0  }
0x20: {  	[sflag:s8] =	ssyncset.s32 @!p0 $0xFFFFF086;
	s6 =	sadd.s32 @!p0 s3, s7;
	s7 =	simm.s32 @!p0 $0x108  }
0x21: {  	s3 =	sadd.s32 s3, s9;
	s6 =	sadd.s32 @!p0 $0x88, s6;
	s7 =	simm.s32 @p2 $0x1082  }
0x22: {  	[simem:s7], [sflag:s8] =	dma.local @!p0 [hbm:s6], $0xF7A  }
0x23: {  	s9 =	sor.u32 $0xD0000000, s2;
	s6 =	simm.s32 $0x108;
	_ =	swait.ge @!p0 [sflag:s8], $0x0  }
0x24: {  	s3 =	sadd.s32 $0x88, s3;
	s6 =	simm.s32 @!p1 $0x1082;
	[sflag:s4] =	ssyncset.s32 $0xFFFFF086  }
0x25: {  	[simem:s6], [sflag:s4] =	dma.local [hbm:s3], $0xF7A  }
0x26: {  	[smem:$0x3F8E] =	sst s1;
	(tag) =	ssettag s2;
	_ =	strace s9  }
0x27: {  	s1 =	sld [smem:$0x3F9E]  }
0x28: {  	s2 =	sld [smem:$0x3F9F]  }
0x29: {  	s4 =	sld [smem:$0x3FA1]  }
0x2a: {  	p0 =	seq.s32 s5, $0x0;
	s5 =	sld [smem:$0x3FA2]  }
0x2b: {  	s6 =	sld [smem:$0x3FA3]  }
0x2c: {  	s7 =	sld [smem:$0x3FA4]  }
0x2d: {  	s3 =	simm.s32 $0x108;
	s8 =	sld [smem:$0x3FA5]  }
0x2e: {  	s3 =	simm.s32 @!p0 $0x1082;
	s9 =	sld [smem:$0x3FA6]  }
0x2f: {  	lr =	sadd.s32 s0, s3;
	s0 =	sld [smem:$0x3F9D]  }
0x30: {  	s3 =	sld [smem:$0x3FA0]  }
0x31: {  	[smem:$0x3FA9] =	sst s10  }
0x32: {  	s10 =	sld [smem:$0x3FA7];
	_ =	sdelay $0x3  }
0x33: {  	p0 =	seq.s32 s10, $0x1;
	s10 =	sld [smem:$0x3FA9];
	_ =	sdelay $0x3  }
0x34: {  	[smem:$0x3FA9] =	sst s10  }
0x35: {  	s10 =	sld [smem:$0x3FA8];
	_ =	sdelay $0x3  }
0x36: {  	p1 =	seq.s32 s10, $0x1;
	s10 =	sld [smem:$0x3FA9];
	_ =	sdelay $0x3  }
0x37: {  	[smem:$0x3FA9] =	sst s10  }
0x38: {  	s10 =	sld [smem:$0x3FAA]  }
0x39: {  	_ = 	snop;
	(pc) =	sbr.ind lr, $3  }
0x3a: {  	_ = 	snop  }
0x3b: {  	_ = 	snop  }
0x3c: {  	p2 =	seq.s32 s10, $0x1;
	s10 =	sld [smem:$0x3FA9]  }
0x3d: {  	_ =	shalt  }
0x3e: {  	_ =	shalt  }
0x3f: {  	_ =	shalt  }
0x40: {  	_ =	shalt  }
0x41: {  	_ =	shalt  }
0x42: {  	_ =	shalt  }
0x43: {  	_ =	shalt  }
0x44: {  	_ =	shalt  }
0x45: {  	_ =	shalt  }
0x46: {  	_ =	shalt  }
0x47: {  	_ =	shalt  }
0x48: {  	_ =	shalt  }
0x49: {  	_ =	shalt  }
0x4a: {  	_ =	shalt  }
0x4b: {  	_ =	shalt  }
0x4c: {  	_ =	shalt  }
0x4d: {  	_ =	shalt  }
0x4e: {  	_ =	shalt  }
0x4f: {  	_ =	shalt  }
0x50: {  	_ =	shalt  }
0x51: {  	_ =	shalt  }
0x52: {  	_ =	shalt  }
0x53: {  	_ =	shalt  }
0x54: {  	_ =	shalt  }
0x55: {  	_ =	shalt  }
0x56: {  	_ =	shalt  }
0x57: {  	_ =	shalt  }
0x58: {  	_ =	shalt  }
0x59: {  	_ =	shalt  }
0x5a: {  	_ =	shalt  }
0x5b: {  	_ =	shalt  }
0x5c: {  	_ =	shalt  }
0x5d: {  	_ =	shalt  }
0x5e: {  	_ =	shalt  }
0x5f: {  	_ =	shalt  }
0x60: {  	_ =	shalt  }
0x61: {  	_ =	shalt  }
0x62: {  	_ =	shalt  }
0x63: {  	_ =	shalt  }
0x64: {  	_ =	shalt  }
0x65: {  	_ =	shalt  }
0x66: {  	_ =	shalt  }
0x67: {  	_ =	shalt  }
0x68: {  	_ =	shalt  }
0x69: {  	_ =	shalt  }
0x6a: {  	_ =	shalt  }
0x6b: {  	_ =	shalt  }
0x6c: {  	_ =	shalt  }
0x6d: {  	_ =	shalt  }
0x6e: {  	_ =	shalt  }
0x6f: {  	_ =	shalt  }
0x70: {  	_ =	shalt  }
0x71: {  	_ =	shalt  }
0x72: {  	_ =	shalt  }
0x73: {  	_ =	shalt  }
0x74: {  	_ =	shalt  }
0x75: {  	_ =	shalt  }
0x76: {  	_ =	shalt  }
0x77: {  	_ =	shalt  }
0x78: {  	_ =	shalt  }
0x79: {  	_ =	shalt  }
0x7a: {  	_ =	shalt  }
0x7b: {  	_ =	shalt  }
0x7c: {  	_ =	shalt  }
0x7d: {  	_ =	shalt  }
0x7e: {  	_ =	shalt  }
0x7f: {  	_ =	shalt  }
0x80: {  	_ =	shalt  }
0x81: {  	_ =	shalt  }
0x82: {  	_ =	shalt  }
0x83: {  	_ =	shalt  }
0x84: {  	_ =	shalt  }
0x85: {  	_ =	shalt  }
0x86: {  	_ =	shalt  }
0x87: {  	_ =	shalt  }
.Lfunc_end0:
.L_simem_size_0:
called_computation_lowered:
.L_overlay_start_0:
0x88: {  	s2 =	sld [smem:$0x3FD9]  }
0x89: {  	s3 =	sld [smem:$0x3FFE];
	_ =	sdelay $0x1  }
0x8a: {  	s1 =	srdreg.scid  }
0x8b: {  	s0 =	sand.u32 $0x1, s1  }
0x8c: {  	s16 =	sshll.u32 s0, $0xA;
	s2 =	sadd.s32 s3, s2  }
0x8d: {  	s2 =	sadd.s32 s2, s16  }
0x8e: {  	[smem:$0x3FB5] =	sst s2  }
0x8f: {  	_ = 	snop  }
0x90: {  	(tm) =	ssettm $0x1  }
0x91: {  	s17 =	sld [smem:$0x3FFB];
	_ =	sdelay $0x3  }
0x92: {  	_ =	strace s17  }
0x93: {  	s2 =	sld [smem:$0x3FFC];
	_ =	sdelay $0x3  }
0x94: {  	_ =	strace s2  }
0x95: {  	s2 =	sld [smem:$0x3FFD];
	_ =	sdelay $0x3  }
0x96: {  	_ =	strace s2  }
0x97: {  	_ =	strace $0x8FFFFFFF  }
0x98: {  	s18 =	sld [smem:$0x3FDB];
	_ =	sdelay $0x1  }
0x99: {  	s19 =	simm.s32 $_scs_section_size  }
0x9a: {  	s4 =	simm.s32 $_size__tile_overlayer_lowered;
	s5 =	simm.s32 $_tile_overlayer_lowered  }
0x9b: {  	s22 =	simm.s32 $0x1BFF;
	s21 =	sshll.u32 s5, $0x1;
	s2 =	sadd.s32 s19, s18  }
0x9c: {  	s6 =	simm.s32 $0x0;
	s20 =	sshll.u32 s4, $0x1;
	s4 =	sadd.s32 s21, s2  }
0x9d: {  	[timem:s6], [sflag:s22] =	dma.local [hbm:s4], s20  }
0x9e: {  	_ =	swait.ge [sflag:s22], s20  }
0x9f: {  	s3 =	ssub.s32 $0x0, s20;
	[sflag:s22] =	ssyncset.done $0x0  }
0xa0: {  	[sflag:s22] =	ssyncadd.s32 s3;
	_ =	sdelay $0x1  }
0xa1: {  	s23 =	simm.s32 $0x1B8B  }
0xa2: {  	_ =	swait.ge [sflag:s23], $0x1  }
0xa3: {  	[sflag:s23] =	ssyncset.done $0x0  }
0xa4: {  	s25 =	simm.s32 $0x1B8E;
	s24 =	sld [smem:$0x3FFE];
	[sflag:s23] =	ssyncadd.s32 $0xFFFFFFFF  }
0xa5: {  	s26 =	simm.s32 $execute0_lowered;
	[smem:$0x3FD2] =	sst s25  }
0xa6: {  	s4 =	sshll.u32 s26, $0x1;
	_ =	strace $0x80000046;
	[dreg:$0x1] =	wrdreg $0xFFFFFFFF  }
0xa7: {  	s28 =	simm.s32 $_size_execute0_lowered;
	s2 =	sadd.s32 s2, s4;
	[dreg:$0x0] =	wrdreg $0x0  }
0xa8: {  	s4 =	sshll.u32 s28, $0x1;
	[dreg:$0x2] =	wrdreg s2  }
0xa9: {  	[dreg:$0x3] =	wrdreg s4  }
0xaa: {  	[dreg:$0x4] =	wrdreg $0xC0  }
0xab: {  	_ =	task [dreg:s6], $0x5FFFF  }
0xac: {  	[dreg:$0x1] =	wrdreg $0xFFFFFFFF  }
0xad: {  	[dreg:$0x0] =	wrdreg $0x60  }
0xae: {  	[dreg:$0x2] =	wrdreg s24  }
0xaf: {  	[dreg:$0x3] =	wrdreg $0x131800  }
0xb0: {  	[dreg:$0x4] =	wrdreg $0x91800  }
0xb1: {  	[dreg:$0x5] =	wrdreg $0x9  }
0xb2: {  	_ =	task.clear_ibuf [dreg:s6], $0x6FFFF;
	_ =	strace $0x90000046  }
0xb3: {  	s29 =	simm.s32 $0x9;
	_ =	strace $0x80000048  }
0xb4: {  	_ =	swait.ge [sflag:s29], $0x1  }
0xb5: {  	[sflag:s29] =	ssyncadd.s32 $0xFFFFFFFF  }
0xb6: {  	_ =	strace $0x90000048  }
0xb7: {  	_ =	sfence  }
0xb8: {  	s30 =	sld [smem:$0x0];
	_ =	sdelay $0x2  }
0xb9: {  	s31 =	sshll.u32 s1, $0xD;
	s1 =	sshrl.u32 s1, $0x2  }
0xba: {  	s3 =	sand.u32 $0x4000, s31;
	s1 =	sadd.s32 s1, s30  }
0xbb: {  	s0 =	sor.u32 s3, s0;
	s1 =	sshll.u32 s1, $0x11  }
0xbc: {  	s0 =	sor.u32 s1, s0  }
0xbd: {  	s0 =	sadd.s32 $0x8F2B, s0  }
0xbe: {  	[sflag:s0] =	ssyncadd.remote.s32 $0x1  }
0xbf: {  	_ =	sfence.sel $0xFFFF  }
0xc0: {  	[dreg:$0x0] =	wrdreg $0xFFFFFFFF;
	(pc) =	sbr.abs _section_cstart, $3  }
0xc1: {  	[dreg:$0x1] =	wrdreg $0xFFFFFFFF  }
0xc2: {  	_ =	task.clear_ibuf [dreg:s6], $0x2FFFF;
	_ =	strace $0x9FFFFFFF  }
0xc3: {  	(tm) =	ssettm $0x7FFFFFFF  }
tec
execute0_lowered:
.L_overlay_start_1:
0x0: {  	(tag) =	ssettag $0x1  }
0x1: {  	s0 =	rddreg [dreg:$0x0]  }
0x2: {  	s1 =	srdreg.scid;
	s2 =	rddreg [dreg:$0x1]  }
0x3: {  	s10 =	stileid.u32;
	s3 =	rddreg [dreg:$0x2];
	s4 =	simm.s32 $0x0  }
0x4: {  	s28 =	simm.s32 $0x5000;
	s29 =	simm.s32 $0x7180;
	s6 =	smul.u32 $0x280, s10  }
0x5: {  	s30 =	simm.s32 $0x1;
	s31 =	simm.s32 $0x5080;
	s8 =	smul.u32 $0x9F0, s10  }
0x6: {  	s1 =	sand.u32 $0x1, s1;
	[smem:$0x7FF] =	sst s4;
	s25 =	smul.u32 $0x28000, s10  }
0x7: {  	s5 =	smul.u32 $0x2800, s1;
	_ =	strace $0x80000047;
	s1 =	ssub.s32 $0x2, s1  }
0x8: {  	s8 =	sadd.s32 s8, s0;
	s11 =	sshrl.u32 s1, $0x1;
	s18 =	sadd.s32 $0x80, s6  }
0x9: {  	s21 =	sadd.s32 $0x100, s6;
	s7 =	sadd.s32 s6, s5;
	s1 =	ssub.s32 s1, s11  }
0xa: {  	s8 =	sadd.s32 $0x7AE00, s8;
	s20 =	sadd.s32 s5, s18;
	s22 =	sadd.s32 s5, s21  }
0xb: {  	s23 =	sshll.u32 s21, $0x6;
	s21 =	simm.s32 $0x80;
	s9 =	sshll.u32 s7, $0x3  }
0xc: {  	s7 =	sshrl.u32 s25, $0x2;
	[dreg:$0x4] =	wrdreg s8;
	s1 =	smax.u32 s1, $0x1  }
0xd: {  	s26 =	sadd.s32 s9, s0;
	s0 =	sadd.s32 $0x84E00, s0;
	s11 =	sadd.s32 s7, s2  }
0xe: {  	s7 =	sadd.s32 s7, s3;
	[dreg:$0x7] =	wrdreg s1;
	s10 =	sadd.s32 $0x52E00, s26  }
0xf: {  	s1 =	sshll.u32 s18, $0x6;
	s9 =	sadd.s32 s0, s9;
	[dreg:$0x5] =	wrdreg s10  }
0x10: {  	s18 =	simm.s32 $0x3;
	s17 =	sadd.s32 $0x2000, s7;
	[dreg:$0x6] =	wrdreg s9  }
0x11: {  	s19 =	sadd.s32 $0x4000, s7;
	s12 =	sadd.s32 $0x6000, s7;
	[dreg:$0x8] =	wrdreg s17  }
0x12: {  	s13 =	sadd.s32 $0x8000, s7;
	s1 =	sadd.s32 s1, s3;
	[dreg:$0x9] =	wrdreg s19  }
0x13: {  	s9 =	sshll.u32 s20, $0x3;
	s17 =	sadd.s32 $0x180, s6;
	s6 =	sadd.s32 $0x200, s6  }
0x14: {  	s19 =	sshrl.u32 s11, $0x3;
	s20 =	simm.s32 $0x5180;
	s14 =	sadd.s32 s0, s9  }
0x15: {  	s9 =	sshll.u32 s22, $0x3;
	s24 =	sadd.s32 s5, s17;
	s25 =	sshll.u32 s17, $0x6  }
0x16: {  	s5 =	sadd.s32 s5, s6;
	s6 =	sshll.u32 s6, $0x6;
	s22 =	sshrl.u32 s1, $0x3  }
0x17: {  	s1 =	simm.s32 $0x2;
	s15 =	sadd.s32 s0, s9;
	s9 =	sadd.s32 s23, s3  }
0x18: {  	s10 =	sshll.u32 s24, $0x3;
	s5 =	sshll.u32 s5, $0x3;
	s26 =	sadd.s32 s6, s3  }
0x19: {  	s16 =	sadd.s32 s0, s10;
	s10 =	sadd.s32 s25, s3;
	s17 =	sadd.s32 s0, s5  }
0x1a: {  	s23 =	sshrl.u32 s9, $0x3;
	s25 =	sshrl.u32 s26, $0x3;
	s26 =	simm.s32 $0x4F80  }
0x1b: {  	v0 =	vimm.f32 $0.0e+00;
	s0 =	simm.s32 $0x5100;
	s5 =	simm.s32 $0x0;
	s24 =	sshrl.u32 s10, $0x3  }
.LBB2_1:
0x1c: {  	s6 =	rddreg [dreg:$0x4]  }
0x1d: {  	[tilespmem:s4], [sflag:$0x3] =	stream.linear.gather [hbm4b:s6+s4], $0x4F80, $0x38;
	[tilespmem:$0x1D180] =	vst v63  }
0x1e: {  	s10 =	stileid.u32;
	_ =	swait.ge [sflag:s18], $0x4F80  }
0x1f: {  	s11 =	sand.u32 $0x7F00, s4;
	s6 =	sshll.u32 s10, $0x6;
	[sflag:s18] =	ssyncset.done $0x0  }
0x20: {  	s6 =	sor.u32 $0x1C03, s6;
	s8 =	rddreg [dreg:$0x5];
	[sflag:s18] =	ssyncadd.s32 $0xFFFFB080  }
0x21: {  	[spmem:s19], [sflag:s6] =	dma.local [hbm:s8], $0x1400  }
0x22: {  	s9 =	sand.u32 $0x30, s4;
	s10 =	sshrl.u32 s11, $0x2;
	_ =	swait.ge [sflag:s18], $0x1400  }
0x23: {  	s10 =	sor.u32 s9, s10;
	[sflag:s18] =	ssyncset.done $0x0  }
0x24: {  	s9 =	simm.s32 $0x0;
	s8 =	simm.s32 $0x40;
	[sflag:s18] =	ssyncadd.s32 $0xFFFFEC00  }
.LBB2_2:
0x25: {  	p0 =	sne.s32 s8, $0x7FC0  }
0x26: {  	[tilespmem:s10+$0x5180] =	vst v0;
	s9 =	sadd.s32 $0x10, s9;
	s10 =	smov.u32 s8;
	s8 =	sadd.s32 $0x40, s8  }
.Ltmp0:
0x27: {  	(pc) =	sbr.rel @p0 .LBB2_2-.Ltmp0, $4  }
0x28: {  	_ = 	snop  }
0x29: {  	s10 =	sand.u32 $0x7F00, s10  }
0x2a: {  	s11 =	sand.u32 $0x30, s9;
	s10 =	sshrl.u32 s10, $0x2  }
0x2b: {  	s10 =	sor.u32 s11, s10  }
0x2c: {  	[tilespmem:s10+$0x5180] =	vst v0  }
0x2d: {  	[spmem:s7] =	stream.linear.scatter [tilespmem:s20], [sflag:$0x3], $0x2000, $0x38;
	[tilespmem:$0x1D180] =	vst v63  }
0x2e: {  	_ =	swait.ge [sflag:s18], $0x2000  }
0x2f: {  	[sflag:s18] =	ssyncset.done $0x0  }
0x30: {  	s8 =	rddreg [dreg:$0x8];
	[sflag:s18] =	ssyncadd.s32 $0xFFFFE000  }
0x31: {  	[spmem:s8] =	stream.linear.scatter [tilespmem:s20], [sflag:$0x3], $0x2000, $0x38;
	[tilespmem:$0x1D180] =	vst v63  }
0x32: {  	_ =	swait.ge [sflag:s18], $0x2000  }
0x33: {  	[sflag:s18] =	ssyncset.done $0x0  }
0x34: {  	s11 =	rddreg [dreg:$0x9];
	[sflag:s18] =	ssyncadd.s32 $0xFFFFE000  }
0x35: {  	[spmem:s11] =	stream.linear.scatter [tilespmem:s20], [sflag:$0x3], $0x2000, $0x38;
	[tilespmem:$0x1D180] =	vst v63  }
0x36: {  	_ =	swait.ge [sflag:s18], $0x2000  }
0x37: {  	[sflag:s18] =	ssyncset.done $0x0  }
0x38: {  	[sflag:s18] =	ssyncadd.s32 $0xFFFFE000  }
0x39: {  	[spmem:s12] =	stream.linear.scatter [tilespmem:s20], [sflag:$0x3], $0x2000, $0x38;
	[tilespmem:$0x1D180] =	vst v63  }
0x3a: {  	_ =	swait.ge [sflag:s18], $0x2000  }
0x3b: {  	[sflag:s18] =	ssyncset.done $0x0  }
0x3c: {  	[sflag:s18] =	ssyncadd.s32 $0xFFFFE000  }
0x3d: {  	[spmem:s13] =	stream.linear.scatter [tilespmem:s20], [sflag:$0x3], $0x2000, $0x38;
	[tilespmem:$0x1D180] =	vst v63  }
0x3e: {  	_ =	swait.ge [sflag:s18], $0x2000  }
0x3f: {  	[sflag:s18] =	ssyncset.done $0x0  }
0x40: {  	[sflag:s18] =	ssyncadd.s32 $0xFFFFE000  }
0x41: {  	[bflag:$0x0] =	sbarrier.arrive $0xFFFF  }
0x42: {  	v1 =	vld [tilespmem:$0x0];
	_ =	sdelay $0x1  }
0x43: {  	v2 =	vld [tilespmem:$0x10];
	_ =	sdelay $0x1  }
0x44: {  	v3 =	vld [tilespmem:$0x20]  }
0x45: {  	v4 =	vand.u32 $0x3FFF, v1  }
0x46: {  	v62 =	vld [tilespmem:$0x30];
	v1 =	vshra.s32 v1, $0xE;
	[tilespmem:$0x4F80] =	vst v4  }
0x47: {  	[tilespmem:$0x5080] =	vst v1;
	v1 =	vand.u32 $0x3FFF, v2  }
0x48: {  	[tilespmem:$0x4F90] =	vst v1;
	v1 =	vshra.s32 v2, $0xE;
	v2 =	vld [tilespmem:$0x40]  }
0x49: {  	[tilespmem:$0x5090] =	vst v1;
	v1 =	vand.u32 $0x3FFF, v3  }
0x4a: {  	[tilespmem:$0x4FA0] =	vst v1;
	v1 =	vshra.s32 v3, $0xE;
	v3 =	vld [tilespmem:$0x50]  }
0x4b: {  	[tilespmem:$0x50A0] =	vst v1;
	v1 =	vand.u32 $0x3FFF, v62  }
0x4c: {  	v63 =	vld [tilespmem:$0x60];
	[tilespmem:$0x4FB0] =	vst v1;
	v1 =	vshra.s32 v62, $0xE  }
0x4d: {  	[tilespmem:$0x50B0] =	vst v1;
	v1 =	vand.u32 $0x3FFF, v2  }
0x4e: {  	[tilespmem:$0x4FC0] =	vst v1;
	v1 =	vshra.s32 v2, $0xE;
	v2 =	vld [tilespmem:$0x70]  }
0x4f: {  	[tilespmem:$0x50C0] =	vst v1;
	v1 =	vand.u32 $0x3FFF, v3  }
0x50: {  	[tilespmem:$0x4FD0] =	vst v1;
	v1 =	vshra.s32 v3, $0xE  }
0x51: {  	[tilespmem:$0x50D0] =	vst v1;
	v1 =	vand.u32 $0x3FFF, v63  }
0x52: {  	[tilespmem:$0x4FE0] =	vst v1;
	v1 =	vshra.s32 v63, $0xE  }
0x53: {  	[tilespmem:$0x50E0] =	vst v1;
	v1 =	vand.u32 $0x3FFF, v2  }
0x54: {  	[tilespmem:$0x4FF0] =	vst v1;
	v1 =	vshra.s32 v2, $0xE  }
0x55: {  	s8 =	simm.s32 $0x0;
	[tilespmem:$0x50F0] =	vst v1  }
0x56: {  	[tilespmem:s20], [sflag:$0x1] =	stream.indirect.gather [spmem:s2], $0x40, s26, s21, $0xb8;
	[tilespmem:$0x1D180] =	vst v63  }
0x57: {  	v1 =	vld [tilespmem:s8+$0x80];
	_ =	sdelay $0x4  }
0x58: {  	v2 =	vand.u32 $0x3FFF, v1  }
0x59: {  	v1 =	vshra.s32 v1, $0xE;
	[tilespmem:$0x5000] =	vst v2  }
0x5a: {  	[tilespmem:$0x5100] =	vst v1  }
0x5b: {  	v1 =	vld [tilespmem:s8+$0x90];
	_ =	sdelay $0x4  }
0x5c: {  	v2 =	vand.u32 $0x3FFF, v1  }
0x5d: {  	v1 =	vshra.s32 v1, $0xE;
	[tilespmem:$0x5010] =	vst v2  }
0x5e: {  	[tilespmem:$0x5110] =	vst v1  }
0x5f: {  	v1 =	vld [tilespmem:s8+$0xA0];
	_ =	sdelay $0x4  }
0x60: {  	v2 =	vand.u32 $0x3FFF, v1  }
0x61: {  	v1 =	vshra.s32 v1, $0xE;
	[tilespmem:$0x5020] =	vst v2  }
0x62: {  	[tilespmem:$0x5120] =	vst v1  }
0x63: {  	v1 =	vld [tilespmem:s8+$0xB0];
	_ =	sdelay $0x4  }
0x64: {  	v2 =	vand.u32 $0x3FFF, v1  }
0x65: {  	v1 =	vshra.s32 v1, $0xE;
	[tilespmem:$0x5030] =	vst v2  }
0x66: {  	[tilespmem:$0x5130] =	vst v1  }
0x67: {  	v1 =	vld [tilespmem:s8+$0xC0];
	_ =	sdelay $0x4  }
0x68: {  	v2 =	vand.u32 $0x3FFF, v1  }
0x69: {  	v1 =	vshra.s32 v1, $0xE;
	[tilespmem:$0x5040] =	vst v2  }
0x6a: {  	[tilespmem:$0x5140] =	vst v1  }
0x6b: {  	v1 =	vld [tilespmem:s8+$0xD0];
	_ =	sdelay $0x4  }
0x6c: {  	v2 =	vand.u32 $0x3FFF, v1  }
0x6d: {  	v1 =	vshra.s32 v1, $0xE;
	[tilespmem:$0x5050] =	vst v2  }
0x6e: {  	[tilespmem:$0x5150] =	vst v1  }
0x6f: {  	v1 =	vld [tilespmem:s8+$0xE0];
	_ =	sdelay $0x4  }
0x70: {  	v2 =	vand.u32 $0x3FFF, v1  }
0x71: {  	v1 =	vshra.s32 v1, $0xE;
	[tilespmem:$0x5060] =	vst v2  }
0x72: {  	[tilespmem:$0x5160] =	vst v1  }
0x73: {  	v1 =	vld [tilespmem:s8+$0xF0];
	_ =	sdelay $0x4  }
0x74: {  	v2 =	vand.u32 $0x3FFF, v1  }
0x75: {  	v1 =	vshra.s32 v1, $0xE;
	[tilespmem:$0x5070] =	vst v2  }
0x76: {  	[tilespmem:$0x5170] =	vst v1  }
0x77: {  	[tilespmem:s29], [sflag:$0x2] =	stream.indirect.gather [spmem:s2], $0x40, s28, s21, $0xb8;
	[tilespmem:$0x1D180] =	vst v63  }
0x78: {  	_ =	swait.ge [sflag:s30], $0x2000  }
0x79: {  	[sflag:s30] =	ssyncset.done $0x0  }
0x7a: {  	[sflag:s30] =	ssyncadd.s32 $0xFFFFE000  }
0x7b: {  	[spmem:s3] =	stream.indirect.scatter.add.f32 [tilespmem:s20], [sflag:$0x3], $0x40, s31, s21, $0xb8;
	[tilespmem:$0x1D180] =	vst v63  }
0x7c: {  	_ =	swait.ge [sflag:s18], $0x2000  }
0x7d: {  	[sflag:s18] =	ssyncset.done $0x0  }
0x7e: {  	[sflag:s18] =	ssyncadd.s32 $0xFFFFE000  }
0x7f: {  	v1 =	vld [tilespmem:s8+$0x100];
	_ =	sdelay $0x4  }
0x80: {  	v2 =	vand.u32 $0x3FFF, v1  }
0x81: {  	v1 =	vshra.s32 v1, $0xE;
	[tilespmem:$0x4F80] =	vst v2  }
0x82: {  	[tilespmem:$0x5080] =	vst v1  }
0x83: {  	v1 =	vld [tilespmem:s8+$0x110];
	_ =	sdelay $0x4  }
0x84: {  	v2 =	vand.u32 $0x3FFF, v1  }
0x85: {  	v1 =	vshra.s32 v1, $0xE;
	[tilespmem:$0x4F90] =	vst v2  }
0x86: {  	[tilespmem:$0x5090] =	vst v1  }
0x87: {  	v1 =	vld [tilespmem:s8+$0x120];
	_ =	sdelay $0x4  }
0x88: {  	v2 =	vand.u32 $0x3FFF, v1  }
0x89: {  	v1 =	vshra.s32 v1, $0xE;
	[tilespmem:$0x4FA0] =	vst v2  }
0x8a: {  	[tilespmem:$0x50A0] =	vst v1  }
0x8b: {  	v1 =	vld [tilespmem:s8+$0x130];
	_ =	sdelay $0x4  }
0x8c: {  	v2 =	vand.u32 $0x3FFF, v1  }
0x8d: {  	v1 =	vshra.s32 v1, $0xE;
	[tilespmem:$0x4FB0] =	vst v2  }
0x8e: {  	[tilespmem:$0x50B0] =	vst v1  }
0x8f: {  	v1 =	vld [tilespmem:s8+$0x140];
	_ =	sdelay $0x4  }
0x90: {  	v2 =	vand.u32 $0x3FFF, v1  }
0x91: {  	v1 =	vshra.s32 v1, $0xE;
	[tilespmem:$0x4FC0] =	vst v2  }
0x92: {  	[tilespmem:$0x50C0] =	vst v1  }
0x93: {  	v1 =	vld [tilespmem:s8+$0x150];
	_ =	sdelay $0x4  }
0x94: {  	v2 =	vand.u32 $0x3FFF, v1  }
0x95: {  	v1 =	vshra.s32 v1, $0xE;
	[tilespmem:$0x4FD0] =	vst v2  }
0x96: {  	[tilespmem:$0x50D0] =	vst v1  }
0x97: {  	v1 =	vld [tilespmem:s8+$0x160];
	_ =	sdelay $0x4  }
0x98: {  	v2 =	vand.u32 $0x3FFF, v1  }
0x99: {  	s9 =	simm.s32 $0x400;
	v1 =	vshra.s32 v1, $0xE;
	[tilespmem:$0x4FE0] =	vst v2  }
.LBB2_4:
0x9a: {  	p0 =	sne.s32 s9, $0x13800;
	[tilespmem:$0x50E0] =	vst v1;
	s10 =	smov.u32 s9;
	s9 =	sadd.s32 $0x400, s9  }
0x9b: {  	v1 =	vld [tilespmem:s8+$0x170];
	_ =	sdelay $0x4  }
0x9c: {  	v2 =	vand.u32 $0x3FFF, v1;
	v1 =	vshra.s32 v1, $0xE  }
0x9d: {  	[tilespmem:$0x4FF0] =	vst v2  }
0x9e: {  	[tilespmem:$0x50F0] =	vst v1  }
0x9f: {  	[tilespmem:s20], [sflag:$0x1] =	stream.indirect.gather [spmem:s2], $0x40, s26, s21, $0xb8;
	[tilespmem:$0x1D180] =	vst v63  }
0xa0: {  	_ =	swait.ge [sflag:s1], $0x2000  }
0xa1: {  	[sflag:s1] =	ssyncset.done $0x0  }
0xa2: {  	[sflag:s1] =	ssyncadd.s32 $0xFFFFE000  }
0xa3: {  	[spmem:s3] =	stream.indirect.scatter.add.f32 [tilespmem:s29], [sflag:$0x3], $0x40, s0, s21, $0xb8;
	[tilespmem:$0x1D180] =	vst v63  }
0xa4: {  	_ =	swait.ge [sflag:s18], $0x2000  }
0xa5: {  	[sflag:s18] =	ssyncset.done $0x0  }
0xa6: {  	s8 =	sshra.s32 s10, $0x2;
	[sflag:s18] =	ssyncadd.s32 $0xFFFFE000  }
0xa7: {  	v1 =	vld [tilespmem:s8+$0x80];
	_ =	sdelay $0x4  }
0xa8: {  	v2 =	vand.u32 $0x3FFF, v1;
	v1 =	vshra.s32 v1, $0xE  }
0xa9: {  	[tilespmem:$0x5000] =	vst v2  }
0xaa: {  	[tilespmem:$0x5100] =	vst v1  }
0xab: {  	v1 =	vld [tilespmem:s8+$0x90];
	_ =	sdelay $0x4  }
0xac: {  	v2 =	vand.u32 $0x3FFF, v1;
	v1 =	vshra.s32 v1, $0xE  }
0xad: {  	[tilespmem:$0x5010] =	vst v2  }
0xae: {  	[tilespmem:$0x5110] =	vst v1  }
0xaf: {  	v1 =	vld [tilespmem:s8+$0xA0];
	_ =	sdelay $0x4  }
0xb0: {  	v2 =	vand.u32 $0x3FFF, v1;
	v1 =	vshra.s32 v1, $0xE  }
0xb1: {  	[tilespmem:$0x5020] =	vst v2  }
0xb2: {  	[tilespmem:$0x5120] =	vst v1  }
0xb3: {  	v1 =	vld [tilespmem:s8+$0xB0];
	_ =	sdelay $0x4  }
0xb4: {  	v2 =	vand.u32 $0x3FFF, v1;
	v1 =	vshra.s32 v1, $0xE  }
0xb5: {  	[tilespmem:$0x5030] =	vst v2  }
0xb6: {  	[tilespmem:$0x5130] =	vst v1  }
0xb7: {  	v1 =	vld [tilespmem:s8+$0xC0];
	_ =	sdelay $0x4  }
0xb8: {  	v2 =	vand.u32 $0x3FFF, v1;
	v1 =	vshra.s32 v1, $0xE  }
0xb9: {  	[tilespmem:$0x5040] =	vst v2  }
0xba: {  	[tilespmem:$0x5140] =	vst v1  }
0xbb: {  	v1 =	vld [tilespmem:s8+$0xD0];
	_ =	sdelay $0x4  }
0xbc: {  	v2 =	vand.u32 $0x3FFF, v1;
	v1 =	vshra.s32 v1, $0xE  }
0xbd: {  	[tilespmem:$0x5050] =	vst v2  }
0xbe: {  	[tilespmem:$0x5150] =	vst v1  }
0xbf: {  	v1 =	vld [tilespmem:s8+$0xE0];
	_ =	sdelay $0x4  }
0xc0: {  	v2 =	vand.u32 $0x3FFF, v1;
	v1 =	vshra.s32 v1, $0xE  }
0xc1: {  	[tilespmem:$0x5060] =	vst v2  }
0xc2: {  	[tilespmem:$0x5160] =	vst v1  }
0xc3: {  	v1 =	vld [tilespmem:s8+$0xF0];
	_ =	sdelay $0x4  }
0xc4: {  	v2 =	vand.u32 $0x3FFF, v1;
	v1 =	vshra.s32 v1, $0xE  }
0xc5: {  	[tilespmem:$0x5070] =	vst v2  }
0xc6: {  	[tilespmem:$0x5170] =	vst v1  }
0xc7: {  	[tilespmem:s29], [sflag:$0x2] =	stream.indirect.gather [spmem:s2], $0x40, s28, s21, $0xb8;
	[tilespmem:$0x1D180] =	vst v63  }
0xc8: {  	_ =	swait.ge [sflag:s30], $0x2000  }
0xc9: {  	[sflag:s30] =	ssyncset.done $0x0  }
0xca: {  	[sflag:s30] =	ssyncadd.s32 $0xFFFFE000  }
0xcb: {  	[spmem:s3] =	stream.indirect.scatter.add.f32 [tilespmem:s20], [sflag:$0x3], $0x40, s31, s21, $0xb8;
	[tilespmem:$0x1D180] =	vst v63  }
0xcc: {  	_ =	swait.ge [sflag:s18], $0x2000  }
0xcd: {  	[sflag:s18] =	ssyncset.done $0x0  }
0xce: {  	[sflag:s18] =	ssyncadd.s32 $0xFFFFE000  }
0xcf: {  	v1 =	vld [tilespmem:s8+$0x100];
	_ =	sdelay $0x4  }
0xd0: {  	v2 =	vand.u32 $0x3FFF, v1;
	v1 =	vshra.s32 v1, $0xE  }
0xd1: {  	[tilespmem:$0x4F80] =	vst v2  }
0xd2: {  	[tilespmem:$0x5080] =	vst v1  }
0xd3: {  	v1 =	vld [tilespmem:s8+$0x110];
	_ =	sdelay $0x4  }
0xd4: {  	v2 =	vand.u32 $0x3FFF, v1;
	v1 =	vshra.s32 v1, $0xE  }
0xd5: {  	[tilespmem:$0x4F90] =	vst v2  }
0xd6: {  	[tilespmem:$0x5090] =	vst v1  }
0xd7: {  	v1 =	vld [tilespmem:s8+$0x120];
	_ =	sdelay $0x4  }
0xd8: {  	v2 =	vand.u32 $0x3FFF, v1;
	v1 =	vshra.s32 v1, $0xE  }
0xd9: {  	[tilespmem:$0x4FA0] =	vst v2  }
0xda: {  	[tilespmem:$0x50A0] =	vst v1  }
0xdb: {  	v1 =	vld [tilespmem:s8+$0x130];
	_ =	sdelay $0x4  }
0xdc: {  	v2 =	vand.u32 $0x3FFF, v1;
	v1 =	vshra.s32 v1, $0xE  }
0xdd: {  	[tilespmem:$0x4FB0] =	vst v2  }
0xde: {  	[tilespmem:$0x50B0] =	vst v1  }
0xdf: {  	v1 =	vld [tilespmem:s8+$0x140];
	_ =	sdelay $0x4  }
0xe0: {  	v2 =	vand.u32 $0x3FFF, v1;
	v1 =	vshra.s32 v1, $0xE  }
0xe1: {  	[tilespmem:$0x4FC0] =	vst v2  }
0xe2: {  	[tilespmem:$0x50C0] =	vst v1  }
0xe3: {  	v1 =	vld [tilespmem:s8+$0x150];
	_ =	sdelay $0x4  }
0xe4: {  	v2 =	vand.u32 $0x3FFF, v1;
	v1 =	vshra.s32 v1, $0xE  }
0xe5: {  	[tilespmem:$0x4FD0] =	vst v2  }
0xe6: {  	[tilespmem:$0x50D0] =	vst v1  }
0xe7: {  	v1 =	vld [tilespmem:s8+$0x160];
	_ =	sdelay $0x1  }
.Ltmp1:
0xe8: {  	(pc) =	sbr.rel @p0 .LBB2_4-.Ltmp1, $3  }
0xe9: {  	_ =	sdelay $0x1  }
0xea: {  	v2 =	vand.u32 $0x3FFF, v1;
	v1 =	vshra.s32 v1, $0xE  }
0xeb: {  	[tilespmem:$0x4FE0] =	vst v2  }
0xec: {  	[tilespmem:$0x50E0] =	vst v1  }
0xed: {  	v1 =	vld [tilespmem:s8+$0x170];
	_ =	sdelay $0x4  }
0xee: {  	v2 =	vand.u32 $0x3FFF, v1  }
0xef: {  	v1 =	vshra.s32 v1, $0xE;
	[tilespmem:$0x4FF0] =	vst v2  }
0xf0: {  	[tilespmem:$0x50F0] =	vst v1  }
0xf1: {  	[tilespmem:s20], [sflag:$0x1] =	stream.indirect.gather [spmem:s2], $0x40, s26, s21, $0xb8;
	[tilespmem:$0x1D180] =	vst v63  }
0xf2: {  	_ =	swait.ge [sflag:s1], $0x2000  }
0xf3: {  	[sflag:s1] =	ssyncset.done $0x0  }
0xf4: {  	[sflag:s1] =	ssyncadd.s32 $0xFFFFE000  }
0xf5: {  	[spmem:s3] =	stream.indirect.scatter.add.f32 [tilespmem:s29], [sflag:$0x3], $0x40, s0, s21, $0xb8;
	[tilespmem:$0x1D180] =	vst v63  }
0xf6: {  	_ =	swait.ge [sflag:s18], $0x2000  }
0xf7: {  	[sflag:s18] =	ssyncset.done $0x0  }
0xf8: {  	[sflag:s18] =	ssyncadd.s32 $0xFFFFE000  }
0xf9: {  	_ =	swait.ge [sflag:s30], $0x2000  }
0xfa: {  	[sflag:s30] =	ssyncset.done $0x0  }
0xfb: {  	[sflag:s30] =	ssyncadd.s32 $0xFFFFE000  }
0xfc: {  	[bflag:$0x0] =	sbarrier.arrive $0xFFFF  }
0xfd: {  	s10 =	sshrl.u32 s7, $0x3;
	s9 =	rddreg [dreg:$0x6]  }
0xfe: {  	[hbm:s9], [sflag:s6] =	dma.local [spmem:s10], $0x400  }
0xff: {  	_ =	swait.ge [sflag:s18], $0x400  }
0x100: {  	[sflag:s18] =	ssyncset.done $0x0  }
0x101: {  	[sflag:s18] =	ssyncadd.s32 $0xFFFFFC00  }
0x102: {  	[hbm:s14], [sflag:s6] =	dma.local [spmem:s22], $0x400  }
0x103: {  	_ =	swait.ge [sflag:s18], $0x400  }
0x104: {  	[sflag:s18] =	ssyncset.done $0x0  }
0x105: {  	[sflag:s18] =	ssyncadd.s32 $0xFFFFFC00  }
0x106: {  	[hbm:s15], [sflag:s6] =	dma.local [spmem:s23], $0x400  }
0x107: {  	_ =	swait.ge [sflag:s18], $0x400  }
0x108: {  	[sflag:s18] =	ssyncset.done $0x0  }
0x109: {  	[sflag:s18] =	ssyncadd.s32 $0xFFFFFC00  }
0x10a: {  	[hbm:s16], [sflag:s6] =	dma.local [spmem:s24], $0x400  }
0x10b: {  	_ =	swait.ge [sflag:s18], $0x400  }
0x10c: {  	[sflag:s18] =	ssyncset.done $0x0  }
0x10d: {  	[sflag:s18] =	ssyncadd.s32 $0xFFFFFC00  }
0x10e: {  	[hbm:s17], [sflag:s6] =	dma.local [spmem:s25], $0x400  }
0x10f: {  	_ =	swait.ge [sflag:s18], $0x400  }
0x110: {  	s5 =	sadd.s32 $0x1, s5;
	s11 =	rddreg [dreg:$0x7]  }
0x111: {  	p0 =	sne.s32 s5, s11  }
.Ltmp2:
0x112: {  	_ = 	snop;
	(pc) =	sbr.rel @p0 .LBB2_1-.Ltmp2, $3  }
0x113: {  	_ =	sdelay $0x1  }
0x114: {  	[sflag:s18] =	ssyncset.done $0x0  }
0x115: {  	[sflag:s18] =	ssyncadd.s32 $0xFFFFFC00  }
0x116: {  	_ =	sfence.sel $0x180000  }
0x117: {  	[bflag:$0x0] =	sbarrier.arrive $0xFFFF  }
0x118: {  	_ =	strace $0x90000047  }
0x119: {  	s0 =	stileid.u32;
	[bflag:$0x2] =	sbarrier.arrive $0xFFFF  }
0x11a: {  	p0 =	sne.s32 s0, $0x0;
	s0 =	rddreg [dreg:$0x3]  }
0x11b: {  	s0 =	sadd.s32 @!p0 $0x100000, s0  }
0x11c: {  	[sflag:s0] =	ssyncadd.tile.s32 @!p0 $0x1;
	_ =	shalt  }
.Lfunc_end2:
_tile_overlayer_lowered:
.L_overlay_start_2:
0x11d: {  	(tag) =	ssettag $0x2  }
0x11e: {  	s0 =	rddreg [dreg:$0x0];
	s2 =	stileid.u32  }
0x11f: {  	s1 =	rddreg [dreg:$0x1];
	p0 =	sne.s32 s2, $0x0  }
0x120: {  	s3 =	rddreg [dreg:$0x2];
	[bflag:$0x3] =	sbarrier.arrive $0xFFFF;
	s2 =	simm.s32 @!p0 $0x1C03  }
0x121: {  	[timem:s3], [sflag:s2] =	dma.local @!p0 [hbm:s0], s1  }
0x122: {  	s0 =	simm.s32 @!p0 $0x3  }
0x123: {  	_ =	swait.ge @!p0 [sflag:s0], s1  }
0x124: {  	s1 =	ssub.s32 @!p0 $0x0, s1;
	[sflag:s0] =	ssyncset.done @!p0 $0x0  }
0x125: {  	[sflag:s0] =	ssyncadd.s32 @!p0 s1  }
0x126: {  	[bflag:$0x3] =	sbarrier.arrive $0xFFFF  }
0x127: {  	_ =	shalt  }

</sc_bundles>
